<compile_context>
chip_gen: v7x
topology: tpu7x:2x2x1
jax: 0.10.2.dev20260603
libtpu: 0.0.44.dev20260713+nightly
codegen_flags: <defaults>
</compile_context>

<pallas_src>
import functools

import jax
import jax.numpy as jnp
from jax import lax
from jax.experimental import pallas as pl
from jax.experimental.pallas import tpu as pltpu
from jax.experimental.pallas import tpu_sc as plsc


def _build(B, L, V, D, NC, NS):
    NW = NC * NS
    ROWS = B * L
    rows_per_w = ROWS // NW
    C = 2 * L
    n_chunks = rows_per_w // C
    SUBS = ((0, 128), (128, 128), (256, 128), (384, 16))
    NSLOT = 4

    mesh = plsc.VectorSubcoreMesh(core_axis_name="c", subcore_axis_name="s")

    @functools.partial(
        pl.kernel,
        out_type=jax.ShapeDtypeStruct((ROWS, 2 * D), jnp.float32),
        mesh=mesh,
        compiler_params=pltpu.CompilerParams(use_tc_tiling_on_sc=False),
        scratch_types=[
            pltpu.VMEM((NSLOT, C), jnp.int32),
            pltpu.VMEM((NSLOT, C, D), jnp.float32),
            pltpu.VMEM_SHARED((C, D), jnp.float32),
        ] + [pltpu.SemaphoreType.DMA] * (4 * NSLOT),
    )
    def embed(idx_hbm, tok_hbm, pos_hbm, out_hbm,
              idx_v, buf_v, pat_sh, *sems):
        sem_g = sems[0:NSLOT]
        sem_w = sems[NSLOT:2 * NSLOT]
        sem_p = sems[2 * NSLOT:3 * NSLOT]
        sem_i = sems[3 * NSLOT:4 * NSLOT]
        wid = lax.axis_index("s") * NC + lax.axis_index("c")
        wbase = wid * rows_per_w

        @pl.when(lax.axis_index("s") == 0)
        def _stage():
            pltpu.sync_copy(pos_hbm, buf_v.at[0, pl.ds(0, L)])
            for r in range(C // L):
                pltpu.sync_copy(buf_v.at[0, pl.ds(0, L)],
                                pat_sh.at[pl.ds(r * L, L)])

        plsc.subcore_barrier()

        def prefill_start(slot):
            pltpu.async_copy(pat_sh, buf_v.at[slot], sem_p[slot])

        def prefill_wait(slot):
            pltpu.make_async_copy(pat_sh, buf_v.at[slot], sem_p[slot]).wait()

        def idx_start(i, slot):
            pltpu.async_copy(idx_hbm.at[pl.ds(wbase + i * C, C)],
                             idx_v.at[slot], sem_i[slot])

        def idx_wait(i, slot):
            pltpu.make_async_copy(idx_hbm.at[pl.ds(wbase + i * C, C)],
                                  idx_v.at[slot], sem_i[slot]).wait()

        def gathers_start(slot):
            for s0, sn in SUBS:
                pltpu.async_copy(
                    tok_hbm.at[idx_v.at[slot, pl.ds(s0, sn)]],
                    buf_v.at[slot, pl.ds(s0, sn)],
                    sem_g[slot], add=True)

        def gathers_wait(slot):
            for s0, sn in SUBS:
                pltpu.make_async_copy(
                    tok_hbm.at[idx_v.at[slot, pl.ds(s0, sn)]],
                    buf_v.at[slot, pl.ds(s0, sn)],
                    sem_g[slot]).wait()

        def wb_start(i, slot):
            pltpu.async_copy(
                buf_v.at[slot],
                out_hbm.at[pl.ds(wbase + i * C, C), pl.ds(0, D)],
                sem_w[slot])

        def wb_wait(i, slot):
            pltpu.make_async_copy(
                buf_v.at[slot],
                out_hbm.at[pl.ds(wbase + i * C, C), pl.ds(0, D)],
                sem_w[slot]).wait()

        idx_start(0, 0)
        prefill_start(0)
        idx_wait(0, 0)
        prefill_wait(0)
        gathers_start(0)
        idx_start(1, 1)
        prefill_start(1)
        idx_start(2, 2)

        def step(i, s0, s1, s2, s3):
            @pl.when(i + 3 < n_chunks)
            def _idx():
                idx_start(i + 3, s3)

            @pl.when(i + 2 < n_chunks)
            def _prep():
                @pl.when(i >= 2)
                def _drain():
                    wb_wait(i - 2, s2)

                prefill_start(s2)

            @pl.when(i + 1 < n_chunks)
            def _fire():
                idx_wait(i + 1, s1)
                prefill_wait(s1)
                gathers_start(s1)

            gathers_wait(s0)
            wb_start(i, s0)

        @pl.loop(0, n_chunks // NSLOT)
        def _groups(g):
            for b in range(NSLOT):
                i = NSLOT * g + b
                step(i, b, (b + 1) % NSLOT, (b + 2) % NSLOT,
                     (b + 3) % NSLOT)

        for i in range(n_chunks - 4, n_chunks):
            wb_wait(i, i % NSLOT)

    return embed


def kernel(x, token_table, pos_table):
    B, L = x.shape
    V, D = token_table.shape
    try:
        info = plsc.get_sparse_core_info()
        NC, NS = info.num_cores, info.num_subcores
    except Exception:
        NC, NS = 2, 16
    xf = x.reshape(-1).astype(jnp.int32)
    out = _build(B, L, V, D, NC, NS)(xf, token_table, pos_table)
    return out[:, :D].reshape(B, L, D)

# --- scband reference (transcript-rebuilt; emitter-appended) ---
"""Pipeline reference for scband-token-and-position-embedding-32710470926865 (READ-ONLY COPY).

The authoritative reference and input builder live on the scoring server;
editing this copy changes nothing except your own understanding.
"""

import jax, jax.numpy as jnp
import numpy as np

MAXLEN = 200
VOCAB = 1000000
EMBED = 64
BATCH = 4096

def setup_inputs(seed: int = 0) -> dict:
    key = jax.random.key(seed)
    k1, k2, k3 = jax.random.split(key, 3)
    x = jax.random.randint(k1, (BATCH, MAXLEN), 0, VOCAB, dtype=jnp.int64 if jax.config.jax_enable_x64 else jnp.int32)
    token_table = jax.random.normal(k2, (VOCAB, EMBED), dtype=jnp.float32) * 0.02
    pos_table = jax.random.normal(k3, (MAXLEN, EMBED), dtype=jnp.float32) * 0.02
    return {"x": x, "token_table": token_table, "pos_table": pos_table}

def reference(x, token_table, pos_table):
    # positions = range(0, seq_len)
    seq_len = x.shape[-1]
    positions = jnp.arange(seq_len)
    pos_embedded = jnp.take(pos_table, positions, axis=0)        # [L, D]
    tok_embedded = jnp.take(token_table, x, axis=0)              # [B, L, D]
    return tok_embedded + pos_embedded[None, :, :]

if __name__ == "__main__":
    import jax
    _d = setup_inputs()
    print(jax.jit(kernel)(*tuple(_d.values())))

</pallas_src>

<mosaic_0001>
#map = affine_map<(d0, d1) -> (0)>
#map1 = affine_map<(d0, d1) -> (0, 0)>
module attributes {stable_mosaic.version = 14 : i64} {
  func.func @embed(%arg0: i32, %arg1: i32, %arg2: memref<819200xi32, #tpu.memory_space<hbm>>, %arg3: memref<1000000x64xf32, #tpu.memory_space<hbm>>, %arg4: memref<200x64xf32, #tpu.memory_space<hbm>>, %arg5: memref<819200x128xf32, #tpu.memory_space<hbm>>, %arg6: memref<4x400xi32, #tpu.memory_space<vmem>>, %arg7: memref<4x400x64xf32, #tpu.memory_space<vmem>>, %arg8: memref<400x64xf32, #tpu.memory_space<vmem_shared>>, %arg9: memref<!tpu.dma_semaphore, #tpu.memory_space<semaphore_mem>>, %arg10: memref<!tpu.dma_semaphore, #tpu.memory_space<semaphore_mem>>, %arg11: memref<!tpu.dma_semaphore, #tpu.memory_space<semaphore_mem>>, %arg12: memref<!tpu.dma_semaphore, #tpu.memory_space<semaphore_mem>>, %arg13: memref<!tpu.dma_semaphore, #tpu.memory_space<semaphore_mem>>, %arg14: memref<!tpu.dma_semaphore, #tpu.memory_space<semaphore_mem>>, %arg15: memref<!tpu.dma_semaphore, #tpu.memory_space<semaphore_mem>>, %arg16: memref<!tpu.dma_semaphore, #tpu.memory_space<semaphore_mem>>, %arg17: memref<!tpu.dma_semaphore, #tpu.memory_space<semaphore_mem>>, %arg18: memref<!tpu.dma_semaphore, #tpu.memory_space<semaphore_mem>>, %arg19: memref<!tpu.dma_semaphore, #tpu.memory_space<semaphore_mem>>, %arg20: memref<!tpu.dma_semaphore, #tpu.memory_space<semaphore_mem>>, %arg21: memref<!tpu.dma_semaphore, #tpu.memory_space<semaphore_mem>>, %arg22: memref<!tpu.dma_semaphore, #tpu.memory_space<semaphore_mem>>, %arg23: memref<!tpu.dma_semaphore, #tpu.memory_space<semaphore_mem>>, %arg24: memref<!tpu.dma_semaphore, #tpu.memory_space<semaphore_mem>>) attributes {dimension_semantics = [#tpu.dimension_semantics<core_parallel>, #tpu.dimension_semantics<subcore_parallel>], iteration_bounds = array<i64: 2, 16>, scalar_prefetch = 0 : i64, scratch_operands = 19 : i64, tpu.core_type = #tpu.core_type<sc_vector_subcore>, window_params = [{transform_indices = #map}, {transform_indices = #map1}, {transform_indices = #map1}, {transform_indices = #map1}]} {
    %mul3A = arith.constant 2 : i32
    %mul3A_0 = arith.muli %arg1, %mul3A : i32
    %add3A = arith.addi %mul3A_0, %arg0 : i32
    %mul3A_1 = arith.constant 25600 : i32
    %mul3A_2 = arith.muli %add3A, %mul3A_1 : i32
    %eq3A = arith.constant 0 : i32
    %eq3A_3 = arith.cmpi eq, %arg1, %eq3A : i32
    %convert_element_type3A = arith.extui %eq3A_3 : i1 to i32
    %cond3A = arith.constant 0 : i32
    %cond3A_4 = arith.cmpi ne, %convert_element_type3A, %cond3A : i32
    scf.if %cond3A_4 {
      %run_scoped3A = arith.constant 0 : i32
      "tpu.region"() ({
        %run_scoped3A_188 = tpu.sem_alloc : memref<!tpu.dma_semaphore, #tpu.memory_space<semaphore_mem>>
        %dma_start3A_189 = arith.constant 0 : i32
        %dma_start3A_190 = arith.constant 0 : i32
        %dma_start3A_191 = tpu.memref_slice %arg7[%run_scoped3A, %dma_start3A_189, %dma_start3A_190] : memref<4x400x64xf32, #tpu.memory_space<vmem>> -> memref<1x200x64xf32, #tpu.memory_space<vmem>>
        %dma_start3A_192 = tpu.memref_squeeze %dma_start3A_191 : memref<1x200x64xf32, #tpu.memory_space<vmem>> -> memref<200x64xf32, #tpu.memory_space<vmem>>
        %dma_start3A_193 = arith.constant 0 : i32
        %dma_start3A_194 = arith.constant 0 : i32
        %dma_start3A_195 = tpu.memref_slice %arg7[%run_scoped3A, %dma_start3A_193, %dma_start3A_194] : memref<4x400x64xf32, #tpu.memory_space<vmem>> -> memref<1x200x64xf32, #tpu.memory_space<vmem>>
        %dma_start3A_196 = tpu.memref_squeeze %dma_start3A_195 : memref<1x200x64xf32, #tpu.memory_space<vmem>> -> memref<200x64xf32, #tpu.memory_space<vmem>>
        tpu.enqueue_dma source(%arg4 : memref<200x64xf32, #tpu.memory_space<hbm>>) target(%dma_start3A_196 : memref<200x64xf32, #tpu.memory_space<vmem>>) target_semaphore(%run_scoped3A_188 : memref<!tpu.dma_semaphore, #tpu.memory_space<semaphore_mem>>)
        %dma_wait3A_197 = arith.constant 0 : i32
        %dma_wait3A_198 = arith.constant 0 : i32
        %dma_wait3A_199 = tpu.memref_slice %arg7[%run_scoped3A, %dma_wait3A_197, %dma_wait3A_198] : memref<4x400x64xf32, #tpu.memory_space<vmem>> -> memref<1x200x64xf32, #tpu.memory_space<vmem>>
        %dma_wait3A_200 = tpu.memref_squeeze %dma_wait3A_199 : memref<1x200x64xf32, #tpu.memory_space<vmem>> -> memref<200x64xf32, #tpu.memory_space<vmem>>
        %dma_wait3A_201 = arith.constant 0 : i32
        %dma_wait3A_202 = arith.constant 0 : i32
        %dma_wait3A_203 = tpu.memref_slice %arg7[%run_scoped3A, %dma_wait3A_201, %dma_wait3A_202] : memref<4x400x64xf32, #tpu.memory_space<vmem>> -> memref<1x200x64xf32, #tpu.memory_space<vmem>>
        %dma_wait3A_204 = tpu.memref_squeeze %dma_wait3A_203 : memref<1x200x64xf32, #tpu.memory_space<vmem>> -> memref<200x64xf32, #tpu.memory_space<vmem>>
        tpu.wait_dma2 semaphore(%run_scoped3A_188 : memref<!tpu.dma_semaphore, #tpu.memory_space<semaphore_mem>>) src(%arg4 : memref<200x64xf32, #tpu.memory_space<hbm>>) dst(%dma_wait3A_204 : memref<200x64xf32, #tpu.memory_space<vmem>>)
        tpu.yield
      }) : () -> ()
      %run_scoped3A_186 = arith.constant 0 : i32
      "tpu.region"() ({
        %run_scoped3A_188 = tpu.sem_alloc : memref<!tpu.dma_semaphore, #tpu.memory_space<semaphore_mem>>
        %dma_start3A_189 = arith.constant 0 : i32
        %dma_start3A_190 = arith.constant 0 : i32
        %dma_start3A_191 = tpu.memref_slice %arg7[%run_scoped3A_186, %dma_start3A_189, %dma_start3A_190] : memref<4x400x64xf32, #tpu.memory_space<vmem>> -> memref<1x200x64xf32, #tpu.memory_space<vmem>>
        %dma_start3A_192 = tpu.memref_squeeze %dma_start3A_191 : memref<1x200x64xf32, #tpu.memory_space<vmem>> -> memref<200x64xf32, #tpu.memory_space<vmem>>
        %dma_start3A_193 = arith.constant 0 : i32
        %dma_start3A_194 = arith.constant 0 : i32
        %dma_start3A_195 = tpu.memref_slice %arg8[%dma_start3A_193, %dma_start3A_194] : memref<400x64xf32, #tpu.memory_space<vmem_shared>> -> memref<200x64xf32, #tpu.memory_space<vmem_shared>>
        %dma_start3A_196 = arith.constant 0 : i32
        %dma_start3A_197 = arith.constant 0 : i32
        %dma_start3A_198 = tpu.memref_slice %arg8[%dma_start3A_196, %dma_start3A_197] : memref<400x64xf32, #tpu.memory_space<vmem_shared>> -> memref<200x64xf32, #tpu.memory_space<vmem_shared>>
        %dma_start3A_199 = arith.constant 0 : i32
        %dma_start3A_200 = arith.constant 0 : i32
        %dma_start3A_201 = tpu.memref_slice %arg7[%run_scoped3A_186, %dma_start3A_199, %dma_start3A_200] : memref<4x400x64xf32, #tpu.memory_space<vmem>> -> memref<1x200x64xf32, #tpu.memory_space<vmem>>
        %dma_start3A_202 = tpu.memref_squeeze %dma_start3A_201 : memref<1x200x64xf32, #tpu.memory_space<vmem>> -> memref<200x64xf32, #tpu.memory_space<vmem>>
        tpu.enqueue_dma source(%dma_start3A_202 : memref<200x64xf32, #tpu.memory_space<vmem>>) target(%dma_start3A_198 : memref<200x64xf32, #tpu.memory_space<vmem_shared>>) target_semaphore(%run_scoped3A_188 : memref<!tpu.dma_semaphore, #tpu.memory_space<semaphore_mem>>)
        %dma_wait3A_203 = arith.constant 0 : i32
        %dma_wait3A_204 = arith.constant 0 : i32
        %dma_wait3A_205 = tpu.memref_slice %arg7[%run_scoped3A_186, %dma_wait3A_203, %dma_wait3A_204] : memref<4x400x64xf32, #tpu.memory_space<vmem>> -> memref<1x200x64xf32, #tpu.memory_space<vmem>>
        %dma_wait3A_206 = tpu.memref_squeeze %dma_wait3A_205 : memref<1x200x64xf32, #tpu.memory_space<vmem>> -> memref<200x64xf32, #tpu.memory_space<vmem>>
        %dma_wait3A_207 = arith.constant 0 : i32
        %dma_wait3A_208 = arith.constant 0 : i32
        %dma_wait3A_209 = tpu.memref_slice %arg8[%dma_wait3A_207, %dma_wait3A_208] : memref<400x64xf32, #tpu.memory_space<vmem_shared>> -> memref<200x64xf32, #tpu.memory_space<vmem_shared>>
        %dma_wait3A_210 = arith.constant 0 : i32
        %dma_wait3A_211 = arith.constant 0 : i32
        %dma_wait3A_212 = tpu.memref_slice %arg8[%dma_wait3A_210, %dma_wait3A_211] : memref<400x64xf32, #tpu.memory_space<vmem_shared>> -> memref<200x64xf32, #tpu.memory_space<vmem_shared>>
        %dma_wait3A_213 = arith.constant 0 : i32
        %dma_wait3A_214 = arith.constant 0 : i32
        %dma_wait3A_215 = tpu.memref_slice %arg7[%run_scoped3A_186, %dma_wait3A_213, %dma_wait3A_214] : memref<4x400x64xf32, #tpu.memory_space<vmem>> -> memref<1x200x64xf32, #tpu.memory_space<vmem>>
        %dma_wait3A_216 = tpu.memref_squeeze %dma_wait3A_215 : memref<1x200x64xf32, #tpu.memory_space<vmem>> -> memref<200x64xf32, #tpu.memory_space<vmem>>
        tpu.wait_dma2 semaphore(%run_scoped3A_188 : memref<!tpu.dma_semaphore, #tpu.memory_space<semaphore_mem>>) src(%dma_wait3A_216 : memref<200x64xf32, #tpu.memory_space<vmem>>) dst(%dma_wait3A_212 : memref<200x64xf32, #tpu.memory_space<vmem_shared>>)
        tpu.yield
      }) : () -> ()
      %run_scoped3A_187 = arith.constant 0 : i32
      "tpu.region"() ({
        %run_scoped3A_188 = tpu.sem_alloc : memref<!tpu.dma_semaphore, #tpu.memory_space<semaphore_mem>>
        %dma_start3A_189 = arith.constant 0 : i32
        %dma_start3A_190 = arith.constant 0 : i32
        %dma_start3A_191 = tpu.memref_slice %arg7[%run_scoped3A_187, %dma_start3A_189, %dma_start3A_190] : memref<4x400x64xf32, #tpu.memory_space<vmem>> -> memref<1x200x64xf32, #tpu.memory_space<vmem>>
        %dma_start3A_192 = tpu.memref_squeeze %dma_start3A_191 : memref<1x200x64xf32, #tpu.memory_space<vmem>> -> memref<200x64xf32, #tpu.memory_space<vmem>>
        %dma_start3A_193 = arith.constant 200 : i32
        %dma_start3A_194 = arith.constant 0 : i32
        %dma_start3A_195 = tpu.memref_slice %arg8[%dma_start3A_193, %dma_start3A_194] : memref<400x64xf32, #tpu.memory_space<vmem_shared>> -> memref<200x64xf32, #tpu.memory_space<vmem_shared>>
        %dma_start3A_196 = arith.constant 200 : i32
        %dma_start3A_197 = arith.constant 0 : i32
        %dma_start3A_198 = tpu.memref_slice %arg8[%dma_start3A_196, %dma_start3A_197] : memref<400x64xf32, #tpu.memory_space<vmem_shared>> -> memref<200x64xf32, #tpu.memory_space<vmem_shared>>
        %dma_start3A_199 = arith.constant 0 : i32
        %dma_start3A_200 = arith.constant 0 : i32
        %dma_start3A_201 = tpu.memref_slice %arg7[%run_scoped3A_187, %dma_start3A_199, %dma_start3A_200] : memref<4x400x64xf32, #tpu.memory_space<vmem>> -> memref<1x200x64xf32, #tpu.memory_space<vmem>>
        %dma_start3A_202 = tpu.memref_squeeze %dma_start3A_201 : memref<1x200x64xf32, #tpu.memory_space<vmem>> -> memref<200x64xf32, #tpu.memory_space<vmem>>
        tpu.enqueue_dma source(%dma_start3A_202 : memref<200x64xf32, #tpu.memory_space<vmem>>) target(%dma_start3A_198 : memref<200x64xf32, #tpu.memory_space<vmem_shared>>) target_semaphore(%run_scoped3A_188 : memref<!tpu.dma_semaphore, #tpu.memory_space<semaphore_mem>>)
        %dma_wait3A_203 = arith.constant 0 : i32
        %dma_wait3A_204 = arith.constant 0 : i32
        %dma_wait3A_205 = tpu.memref_slice %arg7[%run_scoped3A_187, %dma_wait3A_203, %dma_wait3A_204] : memref<4x400x64xf32, #tpu.memory_space<vmem>> -> memref<1x200x64xf32, #tpu.memory_space<vmem>>
        %dma_wait3A_206 = tpu.memref_squeeze %dma_wait3A_205 : memref<1x200x64xf32, #tpu.memory_space<vmem>> -> memref<200x64xf32, #tpu.memory_space<vmem>>
        %dma_wait3A_207 = arith.constant 200 : i32
        %dma_wait3A_208 = arith.constant 0 : i32
        %dma_wait3A_209 = tpu.memref_slice %arg8[%dma_wait3A_207, %dma_wait3A_208] : memref<400x64xf32, #tpu.memory_space<vmem_shared>> -> memref<200x64xf32, #tpu.memory_space<vmem_shared>>
        %dma_wait3A_210 = arith.constant 200 : i32
        %dma_wait3A_211 = arith.constant 0 : i32
        %dma_wait3A_212 = tpu.memref_slice %arg8[%dma_wait3A_210, %dma_wait3A_211] : memref<400x64xf32, #tpu.memory_space<vmem_shared>> -> memref<200x64xf32, #tpu.memory_space<vmem_shared>>
        %dma_wait3A_213 = arith.constant 0 : i32
        %dma_wait3A_214 = arith.constant 0 : i32
        %dma_wait3A_215 = tpu.memref_slice %arg7[%run_scoped3A_187, %dma_wait3A_213, %dma_wait3A_214] : memref<4x400x64xf32, #tpu.memory_space<vmem>> -> memref<1x200x64xf32, #tpu.memory_space<vmem>>
        %dma_wait3A_216 = tpu.memref_squeeze %dma_wait3A_215 : memref<1x200x64xf32, #tpu.memory_space<vmem>> -> memref<200x64xf32, #tpu.memory_space<vmem>>
        tpu.wait_dma2 semaphore(%run_scoped3A_188 : memref<!tpu.dma_semaphore, #tpu.memory_space<semaphore_mem>>) src(%dma_wait3A_216 : memref<200x64xf32, #tpu.memory_space<vmem>>) dst(%dma_wait3A_212 : memref<200x64xf32, #tpu.memory_space<vmem_shared>>)
        tpu.yield
      }) : () -> ()
    } else {
    }
    %barrier3A = arith.constant 0 : index
    tpu.barrier barrier_id(%barrier3A)
    %add3A_5 = arith.constant 0 : i32
    %add3A_6 = arith.addi %mul3A_2, %add3A_5 : i32
    %dma_start3A = arith.constant 0 : i32
    %dma_start3A_7 = arith.constant 0 : i32
    %dma_start3A_8 = tpu.memref_slice %arg6[%dma_start3A, %dma_start3A_7] : memref<4x400xi32, #tpu.memory_space<vmem>> -> memref<1x400xi32, #tpu.memory_space<vmem>>
    %dma_start3A_9 = tpu.memref_squeeze %dma_start3A_8 : memref<1x400xi32, #tpu.memory_space<vmem>> -> memref<400xi32, #tpu.memory_space<vmem>>
    %dma_start3A_10 = tpu.memref_slice %arg2[%add3A_6] : memref<819200xi32, #tpu.memory_space<hbm>> -> memref<400xi32, #tpu.memory_space<hbm>>
    %dma_start3A_11 = arith.constant 0 : i32
    %dma_start3A_12 = tpu.memref_slice %arg6[%dma_start3A, %dma_start3A_11] : memref<4x400xi32, #tpu.memory_space<vmem>> -> memref<1x400xi32, #tpu.memory_space<vmem>>
    %dma_start3A_13 = tpu.memref_squeeze %dma_start3A_12 : memref<1x400xi32, #tpu.memory_space<vmem>> -> memref<400xi32, #tpu.memory_space<vmem>>
    %dma_start3A_14 = tpu.memref_slice %arg2[%add3A_6] : memref<819200xi32, #tpu.memory_space<hbm>> -> memref<400xi32, #tpu.memory_space<hbm>>
    tpu.enqueue_dma source(%dma_start3A_14 : memref<400xi32, #tpu.memory_space<hbm>>) target(%dma_start3A_13 : memref<400xi32, #tpu.memory_space<vmem>>) target_semaphore(%arg21 : memref<!tpu.dma_semaphore, #tpu.memory_space<semaphore_mem>>)
    %dma_start3A_15 = arith.constant 0 : i32
    %dma_start3A_16 = arith.constant 0 : i32
    %dma_start3A_17 = arith.constant 0 : i32
    %dma_start3A_18 = tpu.memref_slice %arg7[%dma_start3A_15, %dma_start3A_16, %dma_start3A_17] : memref<4x400x64xf32, #tpu.memory_space<vmem>> -> memref<1x400x64xf32, #tpu.memory_space<vmem>>
    %dma_start3A_19 = tpu.memref_squeeze %dma_start3A_18 : memref<1x400x64xf32, #tpu.memory_space<vmem>> -> memref<400x64xf32, #tpu.memory_space<vmem>>
    %dma_start3A_20 = arith.constant 0 : i32
    %dma_start3A_21 = arith.constant 0 : i32
    %dma_start3A_22 = tpu.memref_slice %arg7[%dma_start3A_15, %dma_start3A_20, %dma_start3A_21] : memref<4x400x64xf32, #tpu.memory_space<vmem>> -> memref<1x400x64xf32, #tpu.memory_space<vmem>>
    %dma_start3A_23 = tpu.memref_squeeze %dma_start3A_22 : memref<1x400x64xf32, #tpu.memory_space<vmem>> -> memref<400x64xf32, #tpu.memory_space<vmem>>
    tpu.enqueue_dma source(%arg8 : memref<400x64xf32, #tpu.memory_space<vmem_shared>>) target(%dma_start3A_23 : memref<400x64xf32, #tpu.memory_space<vmem>>) target_semaphore(%arg17 : memref<!tpu.dma_semaphore, #tpu.memory_space<semaphore_mem>>)
    %add3A_24 = arith.constant 0 : i32
    %add3A_25 = arith.addi %mul3A_2, %add3A_24 : i32
    %dma_wait3A = arith.constant 0 : i32
    %dma_wait3A_26 = arith.constant 0 : i32
    %dma_wait3A_27 = tpu.memref_slice %arg6[%dma_wait3A, %dma_wait3A_26] : memref<4x400xi32, #tpu.memory_space<vmem>> -> memref<1x400xi32, #tpu.memory_space<vmem>>
    %dma_wait3A_28 = tpu.memref_squeeze %dma_wait3A_27 : memref<1x400xi32, #tpu.memory_space<vmem>> -> memref<400xi32, #tpu.memory_space<vmem>>
    %dma_wait3A_29 = tpu.memref_slice %arg2[%add3A_25] : memref<819200xi32, #tpu.memory_space<hbm>> -> memref<400xi32, #tpu.memory_space<hbm>>
    %dma_wait3A_30 = arith.constant 0 : i32
    %dma_wait3A_31 = tpu.memref_slice %arg6[%dma_wait3A, %dma_wait3A_30] : memref<4x400xi32, #tpu.memory_space<vmem>> -> memref<1x400xi32, #tpu.memory_space<vmem>>
    %dma_wait3A_32 = tpu.memref_squeeze %dma_wait3A_31 : memref<1x400xi32, #tpu.memory_space<vmem>> -> memref<400xi32, #tpu.memory_space<vmem>>
    %dma_wait3A_33 = tpu.memref_slice %arg2[%add3A_25] : memref<819200xi32, #tpu.memory_space<hbm>> -> memref<400xi32, #tpu.memory_space<hbm>>
    tpu.wait_dma2 semaphore(%arg21 : memref<!tpu.dma_semaphore, #tpu.memory_space<semaphore_mem>>) src(%dma_wait3A_33 : memref<400xi32, #tpu.memory_space<hbm>>) dst(%dma_wait3A_32 : memref<400xi32, #tpu.memory_space<vmem>>)
    %dma_wait3A_34 = arith.constant 0 : i32
    %dma_wait3A_35 = arith.constant 0 : i32
    %dma_wait3A_36 = arith.constant 0 : i32
    %dma_wait3A_37 = tpu.memref_slice %arg7[%dma_wait3A_34, %dma_wait3A_35, %dma_wait3A_36] : memref<4x400x64xf32, #tpu.memory_space<vmem>> -> memref<1x400x64xf32, #tpu.memory_space<vmem>>
    %dma_wait3A_38 = tpu.memref_squeeze %dma_wait3A_37 : memref<1x400x64xf32, #tpu.memory_space<vmem>> -> memref<400x64xf32, #tpu.memory_space<vmem>>
    %dma_wait3A_39 = arith.constant 0 : i32
    %dma_wait3A_40 = arith.constant 0 : i32
    %dma_wait3A_41 = tpu.memref_slice %arg7[%dma_wait3A_34, %dma_wait3A_39, %dma_wait3A_40] : memref<4x400x64xf32, #tpu.memory_space<vmem>> -> memref<1x400x64xf32, #tpu.memory_space<vmem>>
    %dma_wait3A_42 = tpu.memref_squeeze %dma_wait3A_41 : memref<1x400x64xf32, #tpu.memory_space<vmem>> -> memref<400x64xf32, #tpu.memory_space<vmem>>
    tpu.wait_dma2 semaphore(%arg17 : memref<!tpu.dma_semaphore, #tpu.memory_space<semaphore_mem>>) src(%arg8 : memref<400x64xf32, #tpu.memory_space<vmem_shared>>) dst(%dma_wait3A_42 : memref<400x64xf32, #tpu.memory_space<vmem>>)
    %dma_start3A_43 = arith.constant 0 : i32
    %dma_start3A_44 = arith.constant 0 : i32
    %dma_start3A_45 = arith.constant 0 : i32
    %dma_start3A_46 = arith.constant 0 : i32
    %dma_start3A_47 = tpu.memref_slice %arg7[%dma_start3A_44, %dma_start3A_45, %dma_start3A_46] : memref<4x400x64xf32, #tpu.memory_space<vmem>> -> memref<1x128x64xf32, #tpu.memory_space<vmem>>
    %dma_start3A_48 = tpu.memref_squeeze %dma_start3A_47 : memref<1x128x64xf32, #tpu.memory_space<vmem>> -> memref<128x64xf32, #tpu.memory_space<vmem>>
    %dma_start3A_49 = arith.constant 0 : i32
    %dma_start3A_50 = tpu.memref_slice %arg6[%dma_start3A_43, %dma_start3A_49] : memref<4x400xi32, #tpu.memory_space<vmem>> -> memref<1x128xi32, #tpu.memory_space<vmem>>
    %dma_start3A_51 = tpu.memref_squeeze %dma_start3A_50 : memref<1x128xi32, #tpu.memory_space<vmem>> -> memref<128xi32, #tpu.memory_space<vmem>>
    %dma_start3A_52 = arith.constant 0 : i32
    %dma_start3A_53 = arith.constant 0 : i32
    %dma_start3A_54 = tpu.memref_slice %arg3[%dma_start3A_52, %dma_start3A_53] : memref<1000000x64xf32, #tpu.memory_space<hbm>> -> memref<1000000x64xf32, #tpu.memory_space<hbm>>
    tpu.enqueue_indirect_dma source(%dma_start3A_54 : memref<1000000x64xf32, #tpu.memory_space<hbm>>) target(%dma_start3A_48 : memref<128x64xf32, #tpu.memory_space<vmem>>) offsets(%dma_start3A_51 : memref<128xi32, #tpu.memory_space<vmem>>) semaphore(%arg9 : memref<!tpu.dma_semaphore, #tpu.memory_space<semaphore_mem>>) {add = true}
    %dma_start3A_55 = arith.constant 0 : i32
    %dma_start3A_56 = arith.constant 0 : i32
    %dma_start3A_57 = arith.constant 128 : i32
    %dma_start3A_58 = arith.constant 0 : i32
    %dma_start3A_59 = tpu.memref_slice %arg7[%dma_start3A_56, %dma_start3A_57, %dma_start3A_58] : memref<4x400x64xf32, #tpu.memory_space<vmem>> -> memref<1x128x64xf32, #tpu.memory_space<vmem>>
    %dma_start3A_60 = tpu.memref_squeeze %dma_start3A_59 : memref<1x128x64xf32, #tpu.memory_space<vmem>> -> memref<128x64xf32, #tpu.memory_space<vmem>>
    %dma_start3A_61 = arith.constant 128 : i32
    %dma_start3A_62 = tpu.memref_slice %arg6[%dma_start3A_55, %dma_start3A_61] : memref<4x400xi32, #tpu.memory_space<vmem>> -> memref<1x128xi32, #tpu.memory_space<vmem>>
    %dma_start3A_63 = tpu.memref_squeeze %dma_start3A_62 : memref<1x128xi32, #tpu.memory_space<vmem>> -> memref<128xi32, #tpu.memory_space<vmem>>
    %dma_start3A_64 = arith.constant 0 : i32
    %dma_start3A_65 = arith.constant 0 : i32
    %dma_start3A_66 = tpu.memref_slice %arg3[%dma_start3A_64, %dma_start3A_65] : memref<1000000x64xf32, #tpu.memory_space<hbm>> -> memref<1000000x64xf32, #tpu.memory_space<hbm>>
    tpu.enqueue_indirect_dma source(%dma_start3A_66 : memref<1000000x64xf32, #tpu.memory_space<hbm>>) target(%dma_start3A_60 : memref<128x64xf32, #tpu.memory_space<vmem>>) offsets(%dma_start3A_63 : memref<128xi32, #tpu.memory_space<vmem>>) semaphore(%arg9 : memref<!tpu.dma_semaphore, #tpu.memory_space<semaphore_mem>>) {add = true}
    %dma_start3A_67 = arith.constant 0 : i32
    %dma_start3A_68 = arith.constant 0 : i32
    %dma_start3A_69 = arith.constant 256 : i32
    %dma_start3A_70 = arith.constant 0 : i32
    %dma_start3A_71 = tpu.memref_slice %arg7[%dma_start3A_68, %dma_start3A_69, %dma_start3A_70] : memref<4x400x64xf32, #tpu.memory_space<vmem>> -> memref<1x128x64xf32, #tpu.memory_space<vmem>>
    %dma_start3A_72 = tpu.memref_squeeze %dma_start3A_71 : memref<1x128x64xf32, #tpu.memory_space<vmem>> -> memref<128x64xf32, #tpu.memory_space<vmem>>
    %dma_start3A_73 = arith.constant 256 : i32
    %dma_start3A_74 = tpu.memref_slice %arg6[%dma_start3A_67, %dma_start3A_73] : memref<4x400xi32, #tpu.memory_space<vmem>> -> memref<1x128xi32, #tpu.memory_space<vmem>>
    %dma_start3A_75 = tpu.memref_squeeze %dma_start3A_74 : memref<1x128xi32, #tpu.memory_space<vmem>> -> memref<128xi32, #tpu.memory_space<vmem>>
    %dma_start3A_76 = arith.constant 0 : i32
    %dma_start3A_77 = arith.constant 0 : i32
    %dma_start3A_78 = tpu.memref_slice %arg3[%dma_start3A_76, %dma_start3A_77] : memref<1000000x64xf32, #tpu.memory_space<hbm>> -> memref<1000000x64xf32, #tpu.memory_space<hbm>>
    tpu.enqueue_indirect_dma source(%dma_start3A_78 : memref<1000000x64xf32, #tpu.memory_space<hbm>>) target(%dma_start3A_72 : memref<128x64xf32, #tpu.memory_space<vmem>>) offsets(%dma_start3A_75 : memref<128xi32, #tpu.memory_space<vmem>>) semaphore(%arg9 : memref<!tpu.dma_semaphore, #tpu.memory_space<semaphore_mem>>) {add = true}
    %dma_start3A_79 = arith.constant 0 : i32
    %dma_start3A_80 = arith.constant 0 : i32
    %dma_start3A_81 = arith.constant 384 : i32
    %dma_start3A_82 = arith.constant 0 : i32
    %dma_start3A_83 = tpu.memref_slice %arg7[%dma_start3A_80, %dma_start3A_81, %dma_start3A_82] : memref<4x400x64xf32, #tpu.memory_space<vmem>> -> memref<1x16x64xf32, #tpu.memory_space<vmem>>
    %dma_start3A_84 = tpu.memref_squeeze %dma_start3A_83 : memref<1x16x64xf32, #tpu.memory_space<vmem>> -> memref<16x64xf32, #tpu.memory_space<vmem>>
    %dma_start3A_85 = arith.constant 384 : i32
    %dma_start3A_86 = tpu.memref_slice %arg6[%dma_start3A_79, %dma_start3A_85] : memref<4x400xi32, #tpu.memory_space<vmem>> -> memref<1x16xi32, #tpu.memory_space<vmem>>
    %dma_start3A_87 = tpu.memref_squeeze %dma_start3A_86 : memref<1x16xi32, #tpu.memory_space<vmem>> -> memref<16xi32, #tpu.memory_space<vmem>>
    %dma_start3A_88 = arith.constant 0 : i32
    %dma_start3A_89 = arith.constant 0 : i32
    %dma_start3A_90 = tpu.memref_slice %arg3[%dma_start3A_88, %dma_start3A_89] : memref<1000000x64xf32, #tpu.memory_space<hbm>> -> memref<1000000x64xf32, #tpu.memory_space<hbm>>
    tpu.enqueue_indirect_dma source(%dma_start3A_90 : memref<1000000x64xf32, #tpu.memory_space<hbm>>) target(%dma_start3A_84 : memref<16x64xf32, #tpu.memory_space<vmem>>) offsets(%dma_start3A_87 : memref<16xi32, #tpu.memory_space<vmem>>) semaphore(%arg9 : memref<!tpu.dma_semaphore, #tpu.memory_space<semaphore_mem>>) {add = true}
    %add3A_91 = arith.constant 400 : i32
    %add3A_92 = arith.addi %mul3A_2, %add3A_91 : i32
    %dma_start3A_93 = arith.constant 1 : i32
    %dma_start3A_94 = arith.constant 0 : i32
    %dma_start3A_95 = tpu.memref_slice %arg6[%dma_start3A_93, %dma_start3A_94] : memref<4x400xi32, #tpu.memory_space<vmem>> -> memref<1x400xi32, #tpu.memory_space<vmem>>
    %dma_start3A_96 = tpu.memref_squeeze %dma_start3A_95 : memref<1x400xi32, #tpu.memory_space<vmem>> -> memref<400xi32, #tpu.memory_space<vmem>>
    %dma_start3A_97 = tpu.memref_slice %arg2[%add3A_92] : memref<819200xi32, #tpu.memory_space<hbm>> -> memref<400xi32, #tpu.memory_space<hbm>>
    %dma_start3A_98 = arith.constant 0 : i32
    %dma_start3A_99 = tpu.memref_slice %arg6[%dma_start3A_93, %dma_start3A_98] : memref<4x400xi32, #tpu.memory_space<vmem>> -> memref<1x400xi32, #tpu.memory_space<vmem>>
    %dma_start3A_100 = tpu.memref_squeeze %dma_start3A_99 : memref<1x400xi32, #tpu.memory_space<vmem>> -> memref<400xi32, #tpu.memory_space<vmem>>
    %dma_start3A_101 = tpu.memref_slice %arg2[%add3A_92] : memref<819200xi32, #tpu.memory_space<hbm>> -> memref<400xi32, #tpu.memory_space<hbm>>
    tpu.enqueue_dma source(%dma_start3A_101 : memref<400xi32, #tpu.memory_space<hbm>>) target(%dma_start3A_100 : memref<400xi32, #tpu.memory_space<vmem>>) target_semaphore(%arg22 : memref<!tpu.dma_semaphore, #tpu.memory_space<semaphore_mem>>)
    %dma_start3A_102 = arith.constant 1 : i32
    %dma_start3A_103 = arith.constant 0 : i32
    %dma_start3A_104 = arith.constant 0 : i32
    %dma_start3A_105 = tpu.memref_slice %arg7[%dma_start3A_102, %dma_start3A_103, %dma_start3A_104] : memref<4x400x64xf32, #tpu.memory_space<vmem>> -> memref<1x400x64xf32, #tpu.memory_space<vmem>>
    %dma_start3A_106 = tpu.memref_squeeze %dma_start3A_105 : memref<1x400x64xf32, #tpu.memory_space<vmem>> -> memref<400x64xf32, #tpu.memory_space<vmem>>
    %dma_start3A_107 = arith.constant 0 : i32
    %dma_start3A_108 = arith.constant 0 : i32
    %dma_start3A_109 = tpu.memref_slice %arg7[%dma_start3A_102, %dma_start3A_107, %dma_start3A_108] : memref<4x400x64xf32, #tpu.memory_space<vmem>> -> memref<1x400x64xf32, #tpu.memory_space<vmem>>
    %dma_start3A_110 = tpu.memref_squeeze %dma_start3A_109 : memref<1x400x64xf32, #tpu.memory_space<vmem>> -> memref<400x64xf32, #tpu.memory_space<vmem>>
    tpu.enqueue_dma source(%arg8 : memref<400x64xf32, #tpu.memory_space<vmem_shared>>) target(%dma_start3A_110 : memref<400x64xf32, #tpu.memory_space<vmem>>) target_semaphore(%arg18 : memref<!tpu.dma_semaphore, #tpu.memory_space<semaphore_mem>>)
    %add3A_111 = arith.constant 800 : i32
    %add3A_112 = arith.addi %mul3A_2, %add3A_111 : i32
    %dma_start3A_113 = arith.constant 2 : i32
    %dma_start3A_114 = arith.constant 0 : i32
    %dma_start3A_115 = tpu.memref_slice %arg6[%dma_start3A_113, %dma_start3A_114] : memref<4x400xi32, #tpu.memory_space<vmem>> -> memref<1x400xi32, #tpu.memory_space<vmem>>
    %dma_start3A_116 = tpu.memref_squeeze %dma_start3A_115 : memref<1x400xi32, #tpu.memory_space<vmem>> -> memref<400xi32, #tpu.memory_space<vmem>>
    %dma_start3A_117 = tpu.memref_slice %arg2[%add3A_112] : memref<819200xi32, #tpu.memory_space<hbm>> -> memref<400xi32, #tpu.memory_space<hbm>>
    %dma_start3A_118 = arith.constant 0 : i32
    %dma_start3A_119 = tpu.memref_slice %arg6[%dma_start3A_113, %dma_start3A_118] : memref<4x400xi32, #tpu.memory_space<vmem>> -> memref<1x400xi32, #tpu.memory_space<vmem>>
    %dma_start3A_120 = tpu.memref_squeeze %dma_start3A_119 : memref<1x400xi32, #tpu.memory_space<vmem>> -> memref<400xi32, #tpu.memory_space<vmem>>
    %dma_start3A_121 = tpu.memref_slice %arg2[%add3A_112] : memref<819200xi32, #tpu.memory_space<hbm>> -> memref<400xi32, #tpu.memory_space<hbm>>
    tpu.enqueue_dma source(%dma_start3A_121 : memref<400xi32, #tpu.memory_space<hbm>>) target(%dma_start3A_120 : memref<400xi32, #tpu.memory_space<vmem>>) target_semaphore(%arg23 : memref<!tpu.dma_semaphore, #tpu.memory_space<semaphore_mem>>)
    %scan3A = arith.constant 0 : i32
    %scan3A_122 = arith.constant 16 : i32
    %scan3A_123 = arith.addi %scan3A, %scan3A_122 : i32
    %scan3A_124 = arith.constant 1 : i32
    scf.for %scan3A_186 = %scan3A to %scan3A_123 step %scan3A_124  : i32 {
      %mul3A_187 = arith.constant 1 : i32
      %mul3A_188 = arith.muli %scan3A_186, %mul3A_187 : i32
      %add3A_189 = arith.constant 0 : i32
      %add3A_190 = arith.addi %add3A_189, %mul3A_188 : i32
      %mul3A_191 = arith.constant 4 : i32
      %mul3A_192 = arith.muli %mul3A_191, %add3A_190 : i32
      %add3A_193 = arith.constant 0 : i32
      %add3A_194 = arith.addi %mul3A_192, %add3A_193 : i32
      %add3A_195 = arith.constant 3 : i32
      %add3A_196 = arith.addi %add3A_194, %add3A_195 : i32
      %lt3A = arith.constant 64 : i32
      %lt3A_197 = arith.cmpi slt, %add3A_196, %lt3A : i32
      %convert_element_type3A_198 = arith.extui %lt3A_197 : i1 to i32
      %cond3A_199 = arith.constant 0 : i32
      %cond3A_200 = arith.cmpi ne, %convert_element_type3A_198, %cond3A_199 : i32
      scf.if %cond3A_200 {
        %add3A_546 = arith.constant 3 : i32
        %add3A_547 = arith.addi %add3A_194, %add3A_546 : i32
        %mul3A_548 = arith.constant 400 : i32
        %mul3A_549 = arith.muli %add3A_547, %mul3A_548 : i32
        %add3A_550 = arith.addi %mul3A_2, %mul3A_549 : i32
        %dma_start3A_551 = arith.constant 3 : i32
        %dma_start3A_552 = arith.constant 0 : i32
        %dma_start3A_553 = tpu.memref_slice %arg6[%dma_start3A_551, %dma_start3A_552] : memref<4x400xi32, #tpu.memory_space<vmem>> -> memref<1x400xi32, #tpu.memory_space<vmem>>
        %dma_start3A_554 = tpu.memref_squeeze %dma_start3A_553 : memref<1x400xi32, #tpu.memory_space<vmem>> -> memref<400xi32, #tpu.memory_space<vmem>>
        %dma_start3A_555 = tpu.memref_slice %arg2[%add3A_550] : memref<819200xi32, #tpu.memory_space<hbm>> -> memref<400xi32, #tpu.memory_space<hbm>>
        %dma_start3A_556 = arith.constant 0 : i32
        %dma_start3A_557 = tpu.memref_slice %arg6[%dma_start3A_551, %dma_start3A_556] : memref<4x400xi32, #tpu.memory_space<vmem>> -> memref<1x400xi32, #tpu.memory_space<vmem>>
        %dma_start3A_558 = tpu.memref_squeeze %dma_start3A_557 : memref<1x400xi32, #tpu.memory_space<vmem>> -> memref<400xi32, #tpu.memory_space<vmem>>
        %dma_start3A_559 = tpu.memref_slice %arg2[%add3A_550] : memref<819200xi32, #tpu.memory_space<hbm>> -> memref<400xi32, #tpu.memory_space<hbm>>
        tpu.enqueue_dma source(%dma_start3A_559 : memref<400xi32, #tpu.memory_space<hbm>>) target(%dma_start3A_558 : memref<400xi32, #tpu.memory_space<vmem>>) target_semaphore(%arg24 : memref<!tpu.dma_semaphore, #tpu.memory_space<semaphore_mem>>)
      } else {
      }
      %add3A_201 = arith.constant 2 : i32
      %add3A_202 = arith.addi %add3A_194, %add3A_201 : i32
      %lt3A_203 = arith.constant 64 : i32
      %lt3A_204 = arith.cmpi slt, %add3A_202, %lt3A_203 : i32
      %convert_element_type3A_205 = arith.extui %lt3A_204 : i1 to i32
      %cond3A_206 = arith.constant 0 : i32
      %cond3A_207 = arith.cmpi ne, %convert_element_type3A_205, %cond3A_206 : i32
      scf.if %cond3A_207 {
        %ge3A = arith.constant 2 : i32
        %ge3A_546 = arith.cmpi sge, %add3A_194, %ge3A : i32
        %convert_element_type3A_547 = arith.extui %ge3A_546 : i1 to i32
        %cond3A_548 = arith.constant 0 : i32
        %cond3A_549 = arith.cmpi ne, %convert_element_type3A_547, %cond3A_548 : i32
        scf.if %cond3A_549 {
          %sub3A = arith.constant 2 : i32
          %sub3A_559 = arith.subi %add3A_194, %sub3A : i32
          %mul3A_560 = arith.constant 400 : i32
          %mul3A_561 = arith.muli %sub3A_559, %mul3A_560 : i32
          %add3A_562 = arith.addi %mul3A_2, %mul3A_561 : i32
          %dma_wait3A_563 = arith.constant 2 : i32
          %dma_wait3A_564 = arith.constant 0 : i32
          %dma_wait3A_565 = arith.constant 0 : i32
          %dma_wait3A_566 = tpu.memref_slice %arg7[%dma_wait3A_563, %dma_wait3A_564, %dma_wait3A_565] : memref<4x400x64xf32, #tpu.memory_space<vmem>> -> memref<1x400x64xf32, #tpu.memory_space<vmem>>
          %dma_wait3A_567 = tpu.memref_squeeze %dma_wait3A_566 : memref<1x400x64xf32, #tpu.memory_space<vmem>> -> memref<400x64xf32, #tpu.memory_space<vmem>>
          %dma_wait3A_568 = arith.constant 0 : i32
          %dma_wait3A_569 = tpu.memref_slice %arg5[%add3A_562, %dma_wait3A_568] : memref<819200x128xf32, #tpu.memory_space<hbm>> -> memref<400x64xf32, #tpu.memory_space<hbm>>
          %dma_wait3A_570 = arith.constant 0 : i32
          %dma_wait3A_571 = tpu.memref_slice %arg5[%add3A_562, %dma_wait3A_570] : memref<819200x128xf32, #tpu.memory_space<hbm>> -> memref<400x64xf32, #tpu.memory_space<hbm>>
          %dma_wait3A_572 = arith.constant 0 : i32
          %dma_wait3A_573 = arith.constant 0 : i32
          %dma_wait3A_574 = tpu.memref_slice %arg7[%dma_wait3A_563, %dma_wait3A_572, %dma_wait3A_573] : memref<4x400x64xf32, #tpu.memory_space<vmem>> -> memref<1x400x64xf32, #tpu.memory_space<vmem>>
          %dma_wait3A_575 = tpu.memref_squeeze %dma_wait3A_574 : memref<1x400x64xf32, #tpu.memory_space<vmem>> -> memref<400x64xf32, #tpu.memory_space<vmem>>
          tpu.wait_dma2 semaphore(%arg15 : memref<!tpu.dma_semaphore, #tpu.memory_space<semaphore_mem>>) src(%dma_wait3A_575 : memref<400x64xf32, #tpu.memory_space<vmem>>) dst(%dma_wait3A_571 : memref<400x64xf32, #tpu.memory_space<hbm>>)
        } else {
        }
        %dma_start3A_550 = arith.constant 2 : i32
        %dma_start3A_551 = arith.constant 0 : i32
        %dma_start3A_552 = arith.constant 0 : i32
        %dma_start3A_553 = tpu.memref_slice %arg7[%dma_start3A_550, %dma_start3A_551, %dma_start3A_552] : memref<4x400x64xf32, #tpu.memory_space<vmem>> -> memref<1x400x64xf32, #tpu.memory_space<vmem>>
        %dma_start3A_554 = tpu.memref_squeeze %dma_start3A_553 : memref<1x400x64xf32, #tpu.memory_space<vmem>> -> memref<400x64xf32, #tpu.memory_space<vmem>>
        %dma_start3A_555 = arith.constant 0 : i32
        %dma_start3A_556 = arith.constant 0 : i32
        %dma_start3A_557 = tpu.memref_slice %arg7[%dma_start3A_550, %dma_start3A_555, %dma_start3A_556] : memref<4x400x64xf32, #tpu.memory_space<vmem>> -> memref<1x400x64xf32, #tpu.memory_space<vmem>>
        %dma_start3A_558 = tpu.memref_squeeze %dma_start3A_557 : memref<1x400x64xf32, #tpu.memory_space<vmem>> -> memref<400x64xf32, #tpu.memory_space<vmem>>
        tpu.enqueue_dma source(%arg8 : memref<400x64xf32, #tpu.memory_space<vmem_shared>>) target(%dma_start3A_558 : memref<400x64xf32, #tpu.memory_space<vmem>>) target_semaphore(%arg19 : memref<!tpu.dma_semaphore, #tpu.memory_space<semaphore_mem>>)
      } else {
      }
      %add3A_208 = arith.constant 1 : i32
      %add3A_209 = arith.addi %add3A_194, %add3A_208 : i32
      %lt3A_210 = arith.constant 64 : i32
      %lt3A_211 = arith.cmpi slt, %add3A_209, %lt3A_210 : i32
      %convert_element_type3A_212 = arith.extui %lt3A_211 : i1 to i32
      %cond3A_213 = arith.constant 0 : i32
      %cond3A_214 = arith.cmpi ne, %convert_element_type3A_212, %cond3A_213 : i32
      scf.if %cond3A_214 {
        %add3A_546 = arith.constant 1 : i32
        %add3A_547 = arith.addi %add3A_194, %add3A_546 : i32
        %mul3A_548 = arith.constant 400 : i32
        %mul3A_549 = arith.muli %add3A_547, %mul3A_548 : i32
        %add3A_550 = arith.addi %mul3A_2, %mul3A_549 : i32
        %dma_wait3A_551 = arith.constant 1 : i32
        %dma_wait3A_552 = arith.constant 0 : i32
        %dma_wait3A_553 = tpu.memref_slice %arg6[%dma_wait3A_551, %dma_wait3A_552] : memref<4x400xi32, #tpu.memory_space<vmem>> -> memref<1x400xi32, #tpu.memory_space<vmem>>
        %dma_wait3A_554 = tpu.memref_squeeze %dma_wait3A_553 : memref<1x400xi32, #tpu.memory_space<vmem>> -> memref<400xi32, #tpu.memory_space<vmem>>
        %dma_wait3A_555 = tpu.memref_slice %arg2[%add3A_550] : memref<819200xi32, #tpu.memory_space<hbm>> -> memref<400xi32, #tpu.memory_space<hbm>>
        %dma_wait3A_556 = arith.constant 0 : i32
        %dma_wait3A_557 = tpu.memref_slice %arg6[%dma_wait3A_551, %dma_wait3A_556] : memref<4x400xi32, #tpu.memory_space<vmem>> -> memref<1x400xi32, #tpu.memory_space<vmem>>
        %dma_wait3A_558 = tpu.memref_squeeze %dma_wait3A_557 : memref<1x400xi32, #tpu.memory_space<vmem>> -> memref<400xi32, #tpu.memory_space<vmem>>
        %dma_wait3A_559 = tpu.memref_slice %arg2[%add3A_550] : memref<819200xi32, #tpu.memory_space<hbm>> -> memref<400xi32, #tpu.memory_space<hbm>>
        tpu.wait_dma2 semaphore(%arg22 : memref<!tpu.dma_semaphore, #tpu.memory_space<semaphore_mem>>) src(%dma_wait3A_559 : memref<400xi32, #tpu.memory_space<hbm>>) dst(%dma_wait3A_558 : memref<400xi32, #tpu.memory_space<vmem>>)
        %dma_wait3A_560 = arith.constant 1 : i32
        %dma_wait3A_561 = arith.constant 0 : i32
        %dma_wait3A_562 = arith.constant 0 : i32
        %dma_wait3A_563 = tpu.memref_slice %arg7[%dma_wait3A_560, %dma_wait3A_561, %dma_wait3A_562] : memref<4x400x64xf32, #tpu.memory_space<vmem>> -> memref<1x400x64xf32, #tpu.memory_space<vmem>>
        %dma_wait3A_564 = tpu.memref_squeeze %dma_wait3A_563 : memref<1x400x64xf32, #tpu.memory_space<vmem>> -> memref<400x64xf32, #tpu.memory_space<vmem>>
        %dma_wait3A_565 = arith.constant 0 : i32
        %dma_wait3A_566 = arith.constant 0 : i32
        %dma_wait3A_567 = tpu.memref_slice %arg7[%dma_wait3A_560, %dma_wait3A_565, %dma_wait3A_566] : memref<4x400x64xf32, #tpu.memory_space<vmem>> -> memref<1x400x64xf32, #tpu.memory_space<vmem>>
        %dma_wait3A_568 = tpu.memref_squeeze %dma_wait3A_567 : memref<1x400x64xf32, #tpu.memory_space<vmem>> -> memref<400x64xf32, #tpu.memory_space<vmem>>
        tpu.wait_dma2 semaphore(%arg18 : memref<!tpu.dma_semaphore, #tpu.memory_space<semaphore_mem>>) src(%arg8 : memref<400x64xf32, #tpu.memory_space<vmem_shared>>) dst(%dma_wait3A_568 : memref<400x64xf32, #tpu.memory_space<vmem>>)
        %dma_start3A_569 = arith.constant 1 : i32
        %dma_start3A_570 = arith.constant 1 : i32
        %dma_start3A_571 = arith.constant 0 : i32
        %dma_start3A_572 = arith.constant 0 : i32
        %dma_start3A_573 = tpu.memref_slice %arg7[%dma_start3A_570, %dma_start3A_571, %dma_start3A_572] : memref<4x400x64xf32, #tpu.memory_space<vmem>> -> memref<1x128x64xf32, #tpu.memory_space<vmem>>
        %dma_start3A_574 = tpu.memref_squeeze %dma_start3A_573 : memref<1x128x64xf32, #tpu.memory_space<vmem>> -> memref<128x64xf32, #tpu.memory_space<vmem>>
        %dma_start3A_575 = arith.constant 0 : i32
        %dma_start3A_576 = tpu.memref_slice %arg6[%dma_start3A_569, %dma_start3A_575] : memref<4x400xi32, #tpu.memory_space<vmem>> -> memref<1x128xi32, #tpu.memory_space<vmem>>
        %dma_start3A_577 = tpu.memref_squeeze %dma_start3A_576 : memref<1x128xi32, #tpu.memory_space<vmem>> -> memref<128xi32, #tpu.memory_space<vmem>>
        %dma_start3A_578 = arith.constant 0 : i32
        %dma_start3A_579 = arith.constant 0 : i32
        %dma_start3A_580 = tpu.memref_slice %arg3[%dma_start3A_578, %dma_start3A_579] : memref<1000000x64xf32, #tpu.memory_space<hbm>> -> memref<1000000x64xf32, #tpu.memory_space<hbm>>
        tpu.enqueue_indirect_dma source(%dma_start3A_580 : memref<1000000x64xf32, #tpu.memory_space<hbm>>) target(%dma_start3A_574 : memref<128x64xf32, #tpu.memory_space<vmem>>) offsets(%dma_start3A_577 : memref<128xi32, #tpu.memory_space<vmem>>) semaphore(%arg10 : memref<!tpu.dma_semaphore, #tpu.memory_space<semaphore_mem>>) {add = true}
        %dma_start3A_581 = arith.constant 1 : i32
        %dma_start3A_582 = arith.constant 1 : i32
        %dma_start3A_583 = arith.constant 128 : i32
        %dma_start3A_584 = arith.constant 0 : i32
        %dma_start3A_585 = tpu.memref_slice %arg7[%dma_start3A_582, %dma_start3A_583, %dma_start3A_584] : memref<4x400x64xf32, #tpu.memory_space<vmem>> -> memref<1x128x64xf32, #tpu.memory_space<vmem>>
        %dma_start3A_586 = tpu.memref_squeeze %dma_start3A_585 : memref<1x128x64xf32, #tpu.memory_space<vmem>> -> memref<128x64xf32, #tpu.memory_space<vmem>>
        %dma_start3A_587 = arith.constant 128 : i32
        %dma_start3A_588 = tpu.memref_slice %arg6[%dma_start3A_581, %dma_start3A_587] : memref<4x400xi32, #tpu.memory_space<vmem>> -> memref<1x128xi32, #tpu.memory_space<vmem>>
        %dma_start3A_589 = tpu.memref_squeeze %dma_start3A_588 : memref<1x128xi32, #tpu.memory_space<vmem>> -> memref<128xi32, #tpu.memory_space<vmem>>
        %dma_start3A_590 = arith.constant 0 : i32
        %dma_start3A_591 = arith.constant 0 : i32
        %dma_start3A_592 = tpu.memref_slice %arg3[%dma_start3A_590, %dma_start3A_591] : memref<1000000x64xf32, #tpu.memory_space<hbm>> -> memref<1000000x64xf32, #tpu.memory_space<hbm>>
        tpu.enqueue_indirect_dma source(%dma_start3A_592 : memref<1000000x64xf32, #tpu.memory_space<hbm>>) target(%dma_start3A_586 : memref<128x64xf32, #tpu.memory_space<vmem>>) offsets(%dma_start3A_589 : memref<128xi32, #tpu.memory_space<vmem>>) semaphore(%arg10 : memref<!tpu.dma_semaphore, #tpu.memory_space<semaphore_mem>>) {add = true}
        %dma_start3A_593 = arith.constant 1 : i32
        %dma_start3A_594 = arith.constant 1 : i32
        %dma_start3A_595 = arith.constant 256 : i32
        %dma_start3A_596 = arith.constant 0 : i32
        %dma_start3A_597 = tpu.memref_slice %arg7[%dma_start3A_594, %dma_start3A_595, %dma_start3A_596] : memref<4x400x64xf32, #tpu.memory_space<vmem>> -> memref<1x128x64xf32, #tpu.memory_space<vmem>>
        %dma_start3A_598 = tpu.memref_squeeze %dma_start3A_597 : memref<1x128x64xf32, #tpu.memory_space<vmem>> -> memref<128x64xf32, #tpu.memory_space<vmem>>
        %dma_start3A_599 = arith.constant 256 : i32
        %dma_start3A_600 = tpu.memref_slice %arg6[%dma_start3A_593, %dma_start3A_599] : memref<4x400xi32, #tpu.memory_space<vmem>> -> memref<1x128xi32, #tpu.memory_space<vmem>>
        %dma_start3A_601 = tpu.memref_squeeze %dma_start3A_600 : memref<1x128xi32, #tpu.memory_space<vmem>> -> memref<128xi32, #tpu.memory_space<vmem>>
        %dma_start3A_602 = arith.constant 0 : i32
        %dma_start3A_603 = arith.constant 0 : i32
        %dma_start3A_604 = tpu.memref_slice %arg3[%dma_start3A_602, %dma_start3A_603] : memref<1000000x64xf32, #tpu.memory_space<hbm>> -> memref<1000000x64xf32, #tpu.memory_space<hbm>>
        tpu.enqueue_indirect_dma source(%dma_start3A_604 : memref<1000000x64xf32, #tpu.memory_space<hbm>>) target(%dma_start3A_598 : memref<128x64xf32, #tpu.memory_space<vmem>>) offsets(%dma_start3A_601 : memref<128xi32, #tpu.memory_space<vmem>>) semaphore(%arg10 : memref<!tpu.dma_semaphore, #tpu.memory_space<semaphore_mem>>) {add = true}
        %dma_start3A_605 = arith.constant 1 : i32
        %dma_start3A_606 = arith.constant 1 : i32
        %dma_start3A_607 = arith.constant 384 : i32
        %dma_start3A_608 = arith.constant 0 : i32
        %dma_start3A_609 = tpu.memref_slice %arg7[%dma_start3A_606, %dma_start3A_607, %dma_start3A_608] : memref<4x400x64xf32, #tpu.memory_space<vmem>> -> memref<1x16x64xf32, #tpu.memory_space<vmem>>
        %dma_start3A_610 = tpu.memref_squeeze %dma_start3A_609 : memref<1x16x64xf32, #tpu.memory_space<vmem>> -> memref<16x64xf32, #tpu.memory_space<vmem>>
        %dma_start3A_611 = arith.constant 384 : i32
        %dma_start3A_612 = tpu.memref_slice %arg6[%dma_start3A_605, %dma_start3A_611] : memref<4x400xi32, #tpu.memory_space<vmem>> -> memref<1x16xi32, #tpu.memory_space<vmem>>
        %dma_start3A_613 = tpu.memref_squeeze %dma_start3A_612 : memref<1x16xi32, #tpu.memory_space<vmem>> -> memref<16xi32, #tpu.memory_space<vmem>>
        %dma_start3A_614 = arith.constant 0 : i32
        %dma_start3A_615 = arith.constant 0 : i32
        %dma_start3A_616 = tpu.memref_slice %arg3[%dma_start3A_614, %dma_start3A_615] : memref<1000000x64xf32, #tpu.memory_space<hbm>> -> memref<1000000x64xf32, #tpu.memory_space<hbm>>
        tpu.enqueue_indirect_dma source(%dma_start3A_616 : memref<1000000x64xf32, #tpu.memory_space<hbm>>) target(%dma_start3A_610 : memref<16x64xf32, #tpu.memory_space<vmem>>) offsets(%dma_start3A_613 : memref<16xi32, #tpu.memory_space<vmem>>) semaphore(%arg10 : memref<!tpu.dma_semaphore, #tpu.memory_space<semaphore_mem>>) {add = true}
      } else {
      }
      %dma_wait3A_215 = arith.constant 0 : i32
      %dma_wait3A_216 = arith.constant 0 : i32
      %dma_wait3A_217 = arith.constant 0 : i32
      %dma_wait3A_218 = arith.constant 0 : i32
      %dma_wait3A_219 = tpu.memref_slice %arg7[%dma_wait3A_216, %dma_wait3A_217, %dma_wait3A_218] : memref<4x400x64xf32, #tpu.memory_space<vmem>> -> memref<1x128x64xf32, #tpu.memory_space<vmem>>
      %dma_wait3A_220 = tpu.memref_squeeze %dma_wait3A_219 : memref<1x128x64xf32, #tpu.memory_space<vmem>> -> memref<128x64xf32, #tpu.memory_space<vmem>>
      %dma_wait3A_221 = arith.constant 0 : i32
      %dma_wait3A_222 = tpu.memref_slice %arg6[%dma_wait3A_215, %dma_wait3A_221] : memref<4x400xi32, #tpu.memory_space<vmem>> -> memref<1x128xi32, #tpu.memory_space<vmem>>
      %dma_wait3A_223 = tpu.memref_squeeze %dma_wait3A_222 : memref<1x128xi32, #tpu.memory_space<vmem>> -> memref<128xi32, #tpu.memory_space<vmem>>
      %dma_wait3A_224 = arith.constant 0 : i32
      %dma_wait3A_225 = arith.constant 0 : i32
      %dma_wait3A_226 = tpu.memref_slice %arg3[%dma_wait3A_224, %dma_wait3A_225] : memref<1000000x64xf32, #tpu.memory_space<hbm>> -> memref<1000000x64xf32, #tpu.memory_space<hbm>>
      tpu.wait_indirect_dma semaphore(%arg9 : memref<!tpu.dma_semaphore, #tpu.memory_space<semaphore_mem>>) src(%dma_wait3A_226 : memref<1000000x64xf32, #tpu.memory_space<hbm>>) dst(%dma_wait3A_220 : memref<128x64xf32, #tpu.memory_space<vmem>>)
      %dma_wait3A_227 = arith.constant 0 : i32
      %dma_wait3A_228 = arith.constant 0 : i32
      %dma_wait3A_229 = arith.constant 128 : i32
      %dma_wait3A_230 = arith.constant 0 : i32
      %dma_wait3A_231 = tpu.memref_slice %arg7[%dma_wait3A_228, %dma_wait3A_229, %dma_wait3A_230] : memref<4x400x64xf32, #tpu.memory_space<vmem>> -> memref<1x128x64xf32, #tpu.memory_space<vmem>>
      %dma_wait3A_232 = tpu.memref_squeeze %dma_wait3A_231 : memref<1x128x64xf32, #tpu.memory_space<vmem>> -> memref<128x64xf32, #tpu.memory_space<vmem>>
      %dma_wait3A_233 = arith.constant 128 : i32
      %dma_wait3A_234 = tpu.memref_slice %arg6[%dma_wait3A_227, %dma_wait3A_233] : memref<4x400xi32, #tpu.memory_space<vmem>> -> memref<1x128xi32, #tpu.memory_space<vmem>>
      %dma_wait3A_235 = tpu.memref_squeeze %dma_wait3A_234 : memref<1x128xi32, #tpu.memory_space<vmem>> -> memref<128xi32, #tpu.memory_space<vmem>>
      %dma_wait3A_236 = arith.constant 0 : i32
      %dma_wait3A_237 = arith.constant 0 : i32
      %dma_wait3A_238 = tpu.memref_slice %arg3[%dma_wait3A_236, %dma_wait3A_237] : memref<1000000x64xf32, #tpu.memory_space<hbm>> -> memref<1000000x64xf32, #tpu.memory_space<hbm>>
      tpu.wait_indirect_dma semaphore(%arg9 : memref<!tpu.dma_semaphore, #tpu.memory_space<semaphore_mem>>) src(%dma_wait3A_238 : memref<1000000x64xf32, #tpu.memory_space<hbm>>) dst(%dma_wait3A_232 : memref<128x64xf32, #tpu.memory_space<vmem>>)
      %dma_wait3A_239 = arith.constant 0 : i32
      %dma_wait3A_240 = arith.constant 0 : i32
      %dma_wait3A_241 = arith.constant 256 : i32
      %dma_wait3A_242 = arith.constant 0 : i32
      %dma_wait3A_243 = tpu.memref_slice %arg7[%dma_wait3A_240, %dma_wait3A_241, %dma_wait3A_242] : memref<4x400x64xf32, #tpu.memory_space<vmem>> -> memref<1x128x64xf32, #tpu.memory_space<vmem>>
      %dma_wait3A_244 = tpu.memref_squeeze %dma_wait3A_243 : memref<1x128x64xf32, #tpu.memory_space<vmem>> -> memref<128x64xf32, #tpu.memory_space<vmem>>
      %dma_wait3A_245 = arith.constant 256 : i32
      %dma_wait3A_246 = tpu.memref_slice %arg6[%dma_wait3A_239, %dma_wait3A_245] : memref<4x400xi32, #tpu.memory_space<vmem>> -> memref<1x128xi32, #tpu.memory_space<vmem>>
      %dma_wait3A_247 = tpu.memref_squeeze %dma_wait3A_246 : memref<1x128xi32, #tpu.memory_space<vmem>> -> memref<128xi32, #tpu.memory_space<vmem>>
      %dma_wait3A_248 = arith.constant 0 : i32
      %dma_wait3A_249 = arith.constant 0 : i32
      %dma_wait3A_250 = tpu.memref_slice %arg3[%dma_wait3A_248, %dma_wait3A_249] : memref<1000000x64xf32, #tpu.memory_space<hbm>> -> memref<1000000x64xf32, #tpu.memory_space<hbm>>
      tpu.wait_indirect_dma semaphore(%arg9 : memref<!tpu.dma_semaphore, #tpu.memory_space<semaphore_mem>>) src(%dma_wait3A_250 : memref<1000000x64xf32, #tpu.memory_space<hbm>>) dst(%dma_wait3A_244 : memref<128x64xf32, #tpu.memory_space<vmem>>)
      %dma_wait3A_251 = arith.constant 0 : i32
      %dma_wait3A_252 = arith.constant 0 : i32
      %dma_wait3A_253 = arith.constant 384 : i32
      %dma_wait3A_254 = arith.constant 0 : i32
      %dma_wait3A_255 = tpu.memref_slice %arg7[%dma_wait3A_252, %dma_wait3A_253, %dma_wait3A_254] : memref<4x400x64xf32, #tpu.memory_space<vmem>> -> memref<1x16x64xf32, #tpu.memory_space<vmem>>
      %dma_wait3A_256 = tpu.memref_squeeze %dma_wait3A_255 : memref<1x16x64xf32, #tpu.memory_space<vmem>> -> memref<16x64xf32, #tpu.memory_space<vmem>>
      %dma_wait3A_257 = arith.constant 384 : i32
      %dma_wait3A_258 = tpu.memref_slice %arg6[%dma_wait3A_251, %dma_wait3A_257] : memref<4x400xi32, #tpu.memory_space<vmem>> -> memref<1x16xi32, #tpu.memory_space<vmem>>
      %dma_wait3A_259 = tpu.memref_squeeze %dma_wait3A_258 : memref<1x16xi32, #tpu.memory_space<vmem>> -> memref<16xi32, #tpu.memory_space<vmem>>
      %dma_wait3A_260 = arith.constant 0 : i32
      %dma_wait3A_261 = arith.constant 0 : i32
      %dma_wait3A_262 = tpu.memref_slice %arg3[%dma_wait3A_260, %dma_wait3A_261] : memref<1000000x64xf32, #tpu.memory_space<hbm>> -> memref<1000000x64xf32, #tpu.memory_space<hbm>>
      tpu.wait_indirect_dma semaphore(%arg9 : memref<!tpu.dma_semaphore, #tpu.memory_space<semaphore_mem>>) src(%dma_wait3A_262 : memref<1000000x64xf32, #tpu.memory_space<hbm>>) dst(%dma_wait3A_256 : memref<16x64xf32, #tpu.memory_space<vmem>>)
      %mul3A_263 = arith.constant 400 : i32
      %mul3A_264 = arith.muli %add3A_194, %mul3A_263 : i32
      %add3A_265 = arith.addi %mul3A_2, %mul3A_264 : i32
      %dma_start3A_266 = arith.constant 0 : i32
      %dma_start3A_267 = arith.constant 0 : i32
      %dma_start3A_268 = arith.constant 0 : i32
      %dma_start3A_269 = tpu.memref_slice %arg7[%dma_start3A_266, %dma_start3A_267, %dma_start3A_268] : memref<4x400x64xf32, #tpu.memory_space<vmem>> -> memref<1x400x64xf32, #tpu.memory_space<vmem>>
      %dma_start3A_270 = tpu.memref_squeeze %dma_start3A_269 : memref<1x400x64xf32, #tpu.memory_space<vmem>> -> memref<400x64xf32, #tpu.memory_space<vmem>>
      %dma_start3A_271 = arith.constant 0 : i32
      %dma_start3A_272 = tpu.memref_slice %arg5[%add3A_265, %dma_start3A_271] : memref<819200x128xf32, #tpu.memory_space<hbm>> -> memref<400x64xf32, #tpu.memory_space<hbm>>
      %dma_start3A_273 = arith.constant 0 : i32
      %dma_start3A_274 = tpu.memref_slice %arg5[%add3A_265, %dma_start3A_273] : memref<819200x128xf32, #tpu.memory_space<hbm>> -> memref<400x64xf32, #tpu.memory_space<hbm>>
      %dma_start3A_275 = arith.constant 0 : i32
      %dma_start3A_276 = arith.constant 0 : i32
      %dma_start3A_277 = tpu.memref_slice %arg7[%dma_start3A_266, %dma_start3A_275, %dma_start3A_276] : memref<4x400x64xf32, #tpu.memory_space<vmem>> -> memref<1x400x64xf32, #tpu.memory_space<vmem>>
      %dma_start3A_278 = tpu.memref_squeeze %dma_start3A_277 : memref<1x400x64xf32, #tpu.memory_space<vmem>> -> memref<400x64xf32, #tpu.memory_space<vmem>>
      tpu.enqueue_dma source(%dma_start3A_278 : memref<400x64xf32, #tpu.memory_space<vmem>>) target(%dma_start3A_274 : memref<400x64xf32, #tpu.memory_space<hbm>>) target_semaphore(%arg13 : memref<!tpu.dma_semaphore, #tpu.memory_space<semaphore_mem>>)
      %mul3A_279 = arith.constant 4 : i32
      %mul3A_280 = arith.muli %mul3A_279, %add3A_190 : i32
      %add3A_281 = arith.constant 1 : i32
      %add3A_282 = arith.addi %mul3A_280, %add3A_281 : i32
      %add3A_283 = arith.constant 3 : i32
      %add3A_284 = arith.addi %add3A_282, %add3A_283 : i32
      %lt3A_285 = arith.constant 64 : i32
      %lt3A_286 = arith.cmpi slt, %add3A_284, %lt3A_285 : i32
      %convert_element_type3A_287 = arith.extui %lt3A_286 : i1 to i32
      %cond3A_288 = arith.constant 0 : i32
      %cond3A_289 = arith.cmpi ne, %convert_element_type3A_287, %cond3A_288 : i32
      scf.if %cond3A_289 {
        %add3A_546 = arith.constant 3 : i32
        %add3A_547 = arith.addi %add3A_282, %add3A_546 : i32
        %mul3A_548 = arith.constant 400 : i32
        %mul3A_549 = arith.muli %add3A_547, %mul3A_548 : i32
        %add3A_550 = arith.addi %mul3A_2, %mul3A_549 : i32
        %dma_start3A_551 = arith.constant 0 : i32
        %dma_start3A_552 = arith.constant 0 : i32
        %dma_start3A_553 = tpu.memref_slice %arg6[%dma_start3A_551, %dma_start3A_552] : memref<4x400xi32, #tpu.memory_space<vmem>> -> memref<1x400xi32, #tpu.memory_space<vmem>>
        %dma_start3A_554 = tpu.memref_squeeze %dma_start3A_553 : memref<1x400xi32, #tpu.memory_space<vmem>> -> memref<400xi32, #tpu.memory_space<vmem>>
        %dma_start3A_555 = tpu.memref_slice %arg2[%add3A_550] : memref<819200xi32, #tpu.memory_space<hbm>> -> memref<400xi32, #tpu.memory_space<hbm>>
        %dma_start3A_556 = arith.constant 0 : i32
        %dma_start3A_557 = tpu.memref_slice %arg6[%dma_start3A_551, %dma_start3A_556] : memref<4x400xi32, #tpu.memory_space<vmem>> -> memref<1x400xi32, #tpu.memory_space<vmem>>
        %dma_start3A_558 = tpu.memref_squeeze %dma_start3A_557 : memref<1x400xi32, #tpu.memory_space<vmem>> -> memref<400xi32, #tpu.memory_space<vmem>>
        %dma_start3A_559 = tpu.memref_slice %arg2[%add3A_550] : memref<819200xi32, #tpu.memory_space<hbm>> -> memref<400xi32, #tpu.memory_space<hbm>>
        tpu.enqueue_dma source(%dma_start3A_559 : memref<400xi32, #tpu.memory_space<hbm>>) target(%dma_start3A_558 : memref<400xi32, #tpu.memory_space<vmem>>) target_semaphore(%arg21 : memref<!tpu.dma_semaphore, #tpu.memory_space<semaphore_mem>>)
      } else {
      }
      %add3A_290 = arith.constant 2 : i32
      %add3A_291 = arith.addi %add3A_282, %add3A_290 : i32
      %lt3A_292 = arith.constant 64 : i32
      %lt3A_293 = arith.cmpi slt, %add3A_291, %lt3A_292 : i32
      %convert_element_type3A_294 = arith.extui %lt3A_293 : i1 to i32
      %cond3A_295 = arith.constant 0 : i32
      %cond3A_296 = arith.cmpi ne, %convert_element_type3A_294, %cond3A_295 : i32
      scf.if %cond3A_296 {
        %ge3A = arith.constant 2 : i32
        %ge3A_546 = arith.cmpi sge, %add3A_282, %ge3A : i32
        %convert_element_type3A_547 = arith.extui %ge3A_546 : i1 to i32
        %cond3A_548 = arith.constant 0 : i32
        %cond3A_549 = arith.cmpi ne, %convert_element_type3A_547, %cond3A_548 : i32
        scf.if %cond3A_549 {
          %sub3A = arith.constant 2 : i32
          %sub3A_559 = arith.subi %add3A_282, %sub3A : i32
          %mul3A_560 = arith.constant 400 : i32
          %mul3A_561 = arith.muli %sub3A_559, %mul3A_560 : i32
          %add3A_562 = arith.addi %mul3A_2, %mul3A_561 : i32
          %dma_wait3A_563 = arith.constant 3 : i32
          %dma_wait3A_564 = arith.constant 0 : i32
          %dma_wait3A_565 = arith.constant 0 : i32
          %dma_wait3A_566 = tpu.memref_slice %arg7[%dma_wait3A_563, %dma_wait3A_564, %dma_wait3A_565] : memref<4x400x64xf32, #tpu.memory_space<vmem>> -> memref<1x400x64xf32, #tpu.memory_space<vmem>>
          %dma_wait3A_567 = tpu.memref_squeeze %dma_wait3A_566 : memref<1x400x64xf32, #tpu.memory_space<vmem>> -> memref<400x64xf32, #tpu.memory_space<vmem>>
          %dma_wait3A_568 = arith.constant 0 : i32
          %dma_wait3A_569 = tpu.memref_slice %arg5[%add3A_562, %dma_wait3A_568] : memref<819200x128xf32, #tpu.memory_space<hbm>> -> memref<400x64xf32, #tpu.memory_space<hbm>>
          %dma_wait3A_570 = arith.constant 0 : i32
          %dma_wait3A_571 = tpu.memref_slice %arg5[%add3A_562, %dma_wait3A_570] : memref<819200x128xf32, #tpu.memory_space<hbm>> -> memref<400x64xf32, #tpu.memory_space<hbm>>
          %dma_wait3A_572 = arith.constant 0 : i32
          %dma_wait3A_573 = arith.constant 0 : i32
          %dma_wait3A_574 = tpu.memref_slice %arg7[%dma_wait3A_563, %dma_wait3A_572, %dma_wait3A_573] : memref<4x400x64xf32, #tpu.memory_space<vmem>> -> memref<1x400x64xf32, #tpu.memory_space<vmem>>
          %dma_wait3A_575 = tpu.memref_squeeze %dma_wait3A_574 : memref<1x400x64xf32, #tpu.memory_space<vmem>> -> memref<400x64xf32, #tpu.memory_space<vmem>>
          tpu.wait_dma2 semaphore(%arg16 : memref<!tpu.dma_semaphore, #tpu.memory_space<semaphore_mem>>) src(%dma_wait3A_575 : memref<400x64xf32, #tpu.memory_space<vmem>>) dst(%dma_wait3A_571 : memref<400x64xf32, #tpu.memory_space<hbm>>)
        } else {
        }
        %dma_start3A_550 = arith.constant 3 : i32
        %dma_start3A_551 = arith.constant 0 : i32
        %dma_start3A_552 = arith.constant 0 : i32
        %dma_start3A_553 = tpu.memref_slice %arg7[%dma_start3A_550, %dma_start3A_551, %dma_start3A_552] : memref<4x400x64xf32, #tpu.memory_space<vmem>> -> memref<1x400x64xf32, #tpu.memory_space<vmem>>
        %dma_start3A_554 = tpu.memref_squeeze %dma_start3A_553 : memref<1x400x64xf32, #tpu.memory_space<vmem>> -> memref<400x64xf32, #tpu.memory_space<vmem>>
        %dma_start3A_555 = arith.constant 0 : i32
        %dma_start3A_556 = arith.constant 0 : i32
        %dma_start3A_557 = tpu.memref_slice %arg7[%dma_start3A_550, %dma_start3A_555, %dma_start3A_556] : memref<4x400x64xf32, #tpu.memory_space<vmem>> -> memref<1x400x64xf32, #tpu.memory_space<vmem>>
        %dma_start3A_558 = tpu.memref_squeeze %dma_start3A_557 : memref<1x400x64xf32, #tpu.memory_space<vmem>> -> memref<400x64xf32, #tpu.memory_space<vmem>>
        tpu.enqueue_dma source(%arg8 : memref<400x64xf32, #tpu.memory_space<vmem_shared>>) target(%dma_start3A_558 : memref<400x64xf32, #tpu.memory_space<vmem>>) target_semaphore(%arg20 : memref<!tpu.dma_semaphore, #tpu.memory_space<semaphore_mem>>)
      } else {
      }
      %add3A_297 = arith.constant 1 : i32
      %add3A_298 = arith.addi %add3A_282, %add3A_297 : i32
      %lt3A_299 = arith.constant 64 : i32
      %lt3A_300 = arith.cmpi slt, %add3A_298, %lt3A_299 : i32
      %convert_element_type3A_301 = arith.extui %lt3A_300 : i1 to i32
      %cond3A_302 = arith.constant 0 : i32
      %cond3A_303 = arith.cmpi ne, %convert_element_type3A_301, %cond3A_302 : i32
      scf.if %cond3A_303 {
        %add3A_546 = arith.constant 1 : i32
        %add3A_547 = arith.addi %add3A_282, %add3A_546 : i32
        %mul3A_548 = arith.constant 400 : i32
        %mul3A_549 = arith.muli %add3A_547, %mul3A_548 : i32
        %add3A_550 = arith.addi %mul3A_2, %mul3A_549 : i32
        %dma_wait3A_551 = arith.constant 2 : i32
        %dma_wait3A_552 = arith.constant 0 : i32
        %dma_wait3A_553 = tpu.memref_slice %arg6[%dma_wait3A_551, %dma_wait3A_552] : memref<4x400xi32, #tpu.memory_space<vmem>> -> memref<1x400xi32, #tpu.memory_space<vmem>>
        %dma_wait3A_554 = tpu.memref_squeeze %dma_wait3A_553 : memref<1x400xi32, #tpu.memory_space<vmem>> -> memref<400xi32, #tpu.memory_space<vmem>>
        %dma_wait3A_555 = tpu.memref_slice %arg2[%add3A_550] : memref<819200xi32, #tpu.memory_space<hbm>> -> memref<400xi32, #tpu.memory_space<hbm>>
        %dma_wait3A_556 = arith.constant 0 : i32
        %dma_wait3A_557 = tpu.memref_slice %arg6[%dma_wait3A_551, %dma_wait3A_556] : memref<4x400xi32, #tpu.memory_space<vmem>> -> memref<1x400xi32, #tpu.memory_space<vmem>>
        %dma_wait3A_558 = tpu.memref_squeeze %dma_wait3A_557 : memref<1x400xi32, #tpu.memory_space<vmem>> -> memref<400xi32, #tpu.memory_space<vmem>>
        %dma_wait3A_559 = tpu.memref_slice %arg2[%add3A_550] : memref<819200xi32, #tpu.memory_space<hbm>> -> memref<400xi32, #tpu.memory_space<hbm>>
        tpu.wait_dma2 semaphore(%arg23 : memref<!tpu.dma_semaphore, #tpu.memory_space<semaphore_mem>>) src(%dma_wait3A_559 : memref<400xi32, #tpu.memory_space<hbm>>) dst(%dma_wait3A_558 : memref<400xi32, #tpu.memory_space<vmem>>)
        %dma_wait3A_560 = arith.constant 2 : i32
        %dma_wait3A_561 = arith.constant 0 : i32
        %dma_wait3A_562 = arith.constant 0 : i32
        %dma_wait3A_563 = tpu.memref_slice %arg7[%dma_wait3A_560, %dma_wait3A_561, %dma_wait3A_562] : memref<4x400x64xf32, #tpu.memory_space<vmem>> -> memref<1x400x64xf32, #tpu.memory_space<vmem>>
        %dma_wait3A_564 = tpu.memref_squeeze %dma_wait3A_563 : memref<1x400x64xf32, #tpu.memory_space<vmem>> -> memref<400x64xf32, #tpu.memory_space<vmem>>
        %dma_wait3A_565 = arith.constant 0 : i32
        %dma_wait3A_566 = arith.constant 0 : i32
        %dma_wait3A_567 = tpu.memref_slice %arg7[%dma_wait3A_560, %dma_wait3A_565, %dma_wait3A_566] : memref<4x400x64xf32, #tpu.memory_space<vmem>> -> memref<1x400x64xf32, #tpu.memory_space<vmem>>
        %dma_wait3A_568 = tpu.memref_squeeze %dma_wait3A_567 : memref<1x400x64xf32, #tpu.memory_space<vmem>> -> memref<400x64xf32, #tpu.memory_space<vmem>>
        tpu.wait_dma2 semaphore(%arg19 : memref<!tpu.dma_semaphore, #tpu.memory_space<semaphore_mem>>) src(%arg8 : memref<400x64xf32, #tpu.memory_space<vmem_shared>>) dst(%dma_wait3A_568 : memref<400x64xf32, #tpu.memory_space<vmem>>)
        %dma_start3A_569 = arith.constant 2 : i32
        %dma_start3A_570 = arith.constant 2 : i32
        %dma_start3A_571 = arith.constant 0 : i32
        %dma_start3A_572 = arith.constant 0 : i32
        %dma_start3A_573 = tpu.memref_slice %arg7[%dma_start3A_570, %dma_start3A_571, %dma_start3A_572] : memref<4x400x64xf32, #tpu.memory_space<vmem>> -> memref<1x128x64xf32, #tpu.memory_space<vmem>>
        %dma_start3A_574 = tpu.memref_squeeze %dma_start3A_573 : memref<1x128x64xf32, #tpu.memory_space<vmem>> -> memref<128x64xf32, #tpu.memory_space<vmem>>
        %dma_start3A_575 = arith.constant 0 : i32
        %dma_start3A_576 = tpu.memref_slice %arg6[%dma_start3A_569, %dma_start3A_575] : memref<4x400xi32, #tpu.memory_space<vmem>> -> memref<1x128xi32, #tpu.memory_space<vmem>>
        %dma_start3A_577 = tpu.memref_squeeze %dma_start3A_576 : memref<1x128xi32, #tpu.memory_space<vmem>> -> memref<128xi32, #tpu.memory_space<vmem>>
        %dma_start3A_578 = arith.constant 0 : i32
        %dma_start3A_579 = arith.constant 0 : i32
        %dma_start3A_580 = tpu.memref_slice %arg3[%dma_start3A_578, %dma_start3A_579] : memref<1000000x64xf32, #tpu.memory_space<hbm>> -> memref<1000000x64xf32, #tpu.memory_space<hbm>>
        tpu.enqueue_indirect_dma source(%dma_start3A_580 : memref<1000000x64xf32, #tpu.memory_space<hbm>>) target(%dma_start3A_574 : memref<128x64xf32, #tpu.memory_space<vmem>>) offsets(%dma_start3A_577 : memref<128xi32, #tpu.memory_space<vmem>>) semaphore(%arg11 : memref<!tpu.dma_semaphore, #tpu.memory_space<semaphore_mem>>) {add = true}
        %dma_start3A_581 = arith.constant 2 : i32
        %dma_start3A_582 = arith.constant 2 : i32
        %dma_start3A_583 = arith.constant 128 : i32
        %dma_start3A_584 = arith.constant 0 : i32
        %dma_start3A_585 = tpu.memref_slice %arg7[%dma_start3A_582, %dma_start3A_583, %dma_start3A_584] : memref<4x400x64xf32, #tpu.memory_space<vmem>> -> memref<1x128x64xf32, #tpu.memory_space<vmem>>
        %dma_start3A_586 = tpu.memref_squeeze %dma_start3A_585 : memref<1x128x64xf32, #tpu.memory_space<vmem>> -> memref<128x64xf32, #tpu.memory_space<vmem>>
        %dma_start3A_587 = arith.constant 128 : i32
        %dma_start3A_588 = tpu.memref_slice %arg6[%dma_start3A_581, %dma_start3A_587] : memref<4x400xi32, #tpu.memory_space<vmem>> -> memref<1x128xi32, #tpu.memory_space<vmem>>
        %dma_start3A_589 = tpu.memref_squeeze %dma_start3A_588 : memref<1x128xi32, #tpu.memory_space<vmem>> -> memref<128xi32, #tpu.memory_space<vmem>>
        %dma_start3A_590 = arith.constant 0 : i32
        %dma_start3A_591 = arith.constant 0 : i32
        %dma_start3A_592 = tpu.memref_slice %arg3[%dma_start3A_590, %dma_start3A_591] : memref<1000000x64xf32, #tpu.memory_space<hbm>> -> memref<1000000x64xf32, #tpu.memory_space<hbm>>
        tpu.enqueue_indirect_dma source(%dma_start3A_592 : memref<1000000x64xf32, #tpu.memory_space<hbm>>) target(%dma_start3A_586 : memref<128x64xf32, #tpu.memory_space<vmem>>) offsets(%dma_start3A_589 : memref<128xi32, #tpu.memory_space<vmem>>) semaphore(%arg11 : memref<!tpu.dma_semaphore, #tpu.memory_space<semaphore_mem>>) {add = true}
        %dma_start3A_593 = arith.constant 2 : i32
        %dma_start3A_594 = arith.constant 2 : i32
        %dma_start3A_595 = arith.constant 256 : i32
        %dma_start3A_596 = arith.constant 0 : i32
        %dma_start3A_597 = tpu.memref_slice %arg7[%dma_start3A_594, %dma_start3A_595, %dma_start3A_596] : memref<4x400x64xf32, #tpu.memory_space<vmem>> -> memref<1x128x64xf32, #tpu.memory_space<vmem>>
        %dma_start3A_598 = tpu.memref_squeeze %dma_start3A_597 : memref<1x128x64xf32, #tpu.memory_space<vmem>> -> memref<128x64xf32, #tpu.memory_space<vmem>>
        %dma_start3A_599 = arith.constant 256 : i32
        %dma_start3A_600 = tpu.memref_slice %arg6[%dma_start3A_593, %dma_start3A_599] : memref<4x400xi32, #tpu.memory_space<vmem>> -> memref<1x128xi32, #tpu.memory_space<vmem>>
        %dma_start3A_601 = tpu.memref_squeeze %dma_start3A_600 : memref<1x128xi32, #tpu.memory_space<vmem>> -> memref<128xi32, #tpu.memory_space<vmem>>
        %dma_start3A_602 = arith.constant 0 : i32
        %dma_start3A_603 = arith.constant 0 : i32
        %dma_start3A_604 = tpu.memref_slice %arg3[%dma_start3A_602, %dma_start3A_603] : memref<1000000x64xf32, #tpu.memory_space<hbm>> -> memref<1000000x64xf32, #tpu.memory_space<hbm>>
        tpu.enqueue_indirect_dma source(%dma_start3A_604 : memref<1000000x64xf32, #tpu.memory_space<hbm>>) target(%dma_start3A_598 : memref<128x64xf32, #tpu.memory_space<vmem>>) offsets(%dma_start3A_601 : memref<128xi32, #tpu.memory_space<vmem>>) semaphore(%arg11 : memref<!tpu.dma_semaphore, #tpu.memory_space<semaphore_mem>>) {add = true}
        %dma_start3A_605 = arith.constant 2 : i32
        %dma_start3A_606 = arith.constant 2 : i32
        %dma_start3A_607 = arith.constant 384 : i32
        %dma_start3A_608 = arith.constant 0 : i32
        %dma_start3A_609 = tpu.memref_slice %arg7[%dma_start3A_606, %dma_start3A_607, %dma_start3A_608] : memref<4x400x64xf32, #tpu.memory_space<vmem>> -> memref<1x16x64xf32, #tpu.memory_space<vmem>>
        %dma_start3A_610 = tpu.memref_squeeze %dma_start3A_609 : memref<1x16x64xf32, #tpu.memory_space<vmem>> -> memref<16x64xf32, #tpu.memory_space<vmem>>
        %dma_start3A_611 = arith.constant 384 : i32
        %dma_start3A_612 = tpu.memref_slice %arg6[%dma_start3A_605, %dma_start3A_611] : memref<4x400xi32, #tpu.memory_space<vmem>> -> memref<1x16xi32, #tpu.memory_space<vmem>>
        %dma_start3A_613 = tpu.memref_squeeze %dma_start3A_612 : memref<1x16xi32, #tpu.memory_space<vmem>> -> memref<16xi32, #tpu.memory_space<vmem>>
        %dma_start3A_614 = arith.constant 0 : i32
        %dma_start3A_615 = arith.constant 0 : i32
        %dma_start3A_616 = tpu.memref_slice %arg3[%dma_start3A_614, %dma_start3A_615] : memref<1000000x64xf32, #tpu.memory_space<hbm>> -> memref<1000000x64xf32, #tpu.memory_space<hbm>>
        tpu.enqueue_indirect_dma source(%dma_start3A_616 : memref<1000000x64xf32, #tpu.memory_space<hbm>>) target(%dma_start3A_610 : memref<16x64xf32, #tpu.memory_space<vmem>>) offsets(%dma_start3A_613 : memref<16xi32, #tpu.memory_space<vmem>>) semaphore(%arg11 : memref<!tpu.dma_semaphore, #tpu.memory_space<semaphore_mem>>) {add = true}
      } else {
      }
      %dma_wait3A_304 = arith.constant 1 : i32
      %dma_wait3A_305 = arith.constant 1 : i32
      %dma_wait3A_306 = arith.constant 0 : i32
      %dma_wait3A_307 = arith.constant 0 : i32
      %dma_wait3A_308 = tpu.memref_slice %arg7[%dma_wait3A_305, %dma_wait3A_306, %dma_wait3A_307] : memref<4x400x64xf32, #tpu.memory_space<vmem>> -> memref<1x128x64xf32, #tpu.memory_space<vmem>>
      %dma_wait3A_309 = tpu.memref_squeeze %dma_wait3A_308 : memref<1x128x64xf32, #tpu.memory_space<vmem>> -> memref<128x64xf32, #tpu.memory_space<vmem>>
      %dma_wait3A_310 = arith.constant 0 : i32
      %dma_wait3A_311 = tpu.memref_slice %arg6[%dma_wait3A_304, %dma_wait3A_310] : memref<4x400xi32, #tpu.memory_space<vmem>> -> memref<1x128xi32, #tpu.memory_space<vmem>>
      %dma_wait3A_312 = tpu.memref_squeeze %dma_wait3A_311 : memref<1x128xi32, #tpu.memory_space<vmem>> -> memref<128xi32, #tpu.memory_space<vmem>>
      %dma_wait3A_313 = arith.constant 0 : i32
      %dma_wait3A_314 = arith.constant 0 : i32
      %dma_wait3A_315 = tpu.memref_slice %arg3[%dma_wait3A_313, %dma_wait3A_314] : memref<1000000x64xf32, #tpu.memory_space<hbm>> -> memref<1000000x64xf32, #tpu.memory_space<hbm>>
      tpu.wait_indirect_dma semaphore(%arg10 : memref<!tpu.dma_semaphore, #tpu.memory_space<semaphore_mem>>) src(%dma_wait3A_315 : memref<1000000x64xf32, #tpu.memory_space<hbm>>) dst(%dma_wait3A_309 : memref<128x64xf32, #tpu.memory_space<vmem>>)
      %dma_wait3A_316 = arith.constant 1 : i32
      %dma_wait3A_317 = arith.constant 1 : i32
      %dma_wait3A_318 = arith.constant 128 : i32
      %dma_wait3A_319 = arith.constant 0 : i32
      %dma_wait3A_320 = tpu.memref_slice %arg7[%dma_wait3A_317, %dma_wait3A_318, %dma_wait3A_319] : memref<4x400x64xf32, #tpu.memory_space<vmem>> -> memref<1x128x64xf32, #tpu.memory_space<vmem>>
      %dma_wait3A_321 = tpu.memref_squeeze %dma_wait3A_320 : memref<1x128x64xf32, #tpu.memory_space<vmem>> -> memref<128x64xf32, #tpu.memory_space<vmem>>
      %dma_wait3A_322 = arith.constant 128 : i32
      %dma_wait3A_323 = tpu.memref_slice %arg6[%dma_wait3A_316, %dma_wait3A_322] : memref<4x400xi32, #tpu.memory_space<vmem>> -> memref<1x128xi32, #tpu.memory_space<vmem>>
      %dma_wait3A_324 = tpu.memref_squeeze %dma_wait3A_323 : memref<1x128xi32, #tpu.memory_space<vmem>> -> memref<128xi32, #tpu.memory_space<vmem>>
      %dma_wait3A_325 = arith.constant 0 : i32
      %dma_wait3A_326 = arith.constant 0 : i32
      %dma_wait3A_327 = tpu.memref_slice %arg3[%dma_wait3A_325, %dma_wait3A_326] : memref<1000000x64xf32, #tpu.memory_space<hbm>> -> memref<1000000x64xf32, #tpu.memory_space<hbm>>
      tpu.wait_indirect_dma semaphore(%arg10 : memref<!tpu.dma_semaphore, #tpu.memory_space<semaphore_mem>>) src(%dma_wait3A_327 : memref<1000000x64xf32, #tpu.memory_space<hbm>>) dst(%dma_wait3A_321 : memref<128x64xf32, #tpu.memory_space<vmem>>)
      %dma_wait3A_328 = arith.constant 1 : i32
      %dma_wait3A_329 = arith.constant 1 : i32
      %dma_wait3A_330 = arith.constant 256 : i32
      %dma_wait3A_331 = arith.constant 0 : i32
      %dma_wait3A_332 = tpu.memref_slice %arg7[%dma_wait3A_329, %dma_wait3A_330, %dma_wait3A_331] : memref<4x400x64xf32, #tpu.memory_space<vmem>> -> memref<1x128x64xf32, #tpu.memory_space<vmem>>
      %dma_wait3A_333 = tpu.memref_squeeze %dma_wait3A_332 : memref<1x128x64xf32, #tpu.memory_space<vmem>> -> memref<128x64xf32, #tpu.memory_space<vmem>>
      %dma_wait3A_334 = arith.constant 256 : i32
      %dma_wait3A_335 = tpu.memref_slice %arg6[%dma_wait3A_328, %dma_wait3A_334] : memref<4x400xi32, #tpu.memory_space<vmem>> -> memref<1x128xi32, #tpu.memory_space<vmem>>
      %dma_wait3A_336 = tpu.memref_squeeze %dma_wait3A_335 : memref<1x128xi32, #tpu.memory_space<vmem>> -> memref<128xi32, #tpu.memory_space<vmem>>
      %dma_wait3A_337 = arith.constant 0 : i32
      %dma_wait3A_338 = arith.constant 0 : i32
      %dma_wait3A_339 = tpu.memref_slice %arg3[%dma_wait3A_337, %dma_wait3A_338] : memref<1000000x64xf32, #tpu.memory_space<hbm>> -> memref<1000000x64xf32, #tpu.memory_space<hbm>>
      tpu.wait_indirect_dma semaphore(%arg10 : memref<!tpu.dma_semaphore, #tpu.memory_space<semaphore_mem>>) src(%dma_wait3A_339 : memref<1000000x64xf32, #tpu.memory_space<hbm>>) dst(%dma_wait3A_333 : memref<128x64xf32, #tpu.memory_space<vmem>>)
      %dma_wait3A_340 = arith.constant 1 : i32
      %dma_wait3A_341 = arith.constant 1 : i32
      %dma_wait3A_342 = arith.constant 384 : i32
      %dma_wait3A_343 = arith.constant 0 : i32
      %dma_wait3A_344 = tpu.memref_slice %arg7[%dma_wait3A_341, %dma_wait3A_342, %dma_wait3A_343] : memref<4x400x64xf32, #tpu.memory_space<vmem>> -> memref<1x16x64xf32, #tpu.memory_space<vmem>>
      %dma_wait3A_345 = tpu.memref_squeeze %dma_wait3A_344 : memref<1x16x64xf32, #tpu.memory_space<vmem>> -> memref<16x64xf32, #tpu.memory_space<vmem>>
      %dma_wait3A_346 = arith.constant 384 : i32
      %dma_wait3A_347 = tpu.memref_slice %arg6[%dma_wait3A_340, %dma_wait3A_346] : memref<4x400xi32, #tpu.memory_space<vmem>> -> memref<1x16xi32, #tpu.memory_space<vmem>>
      %dma_wait3A_348 = tpu.memref_squeeze %dma_wait3A_347 : memref<1x16xi32, #tpu.memory_space<vmem>> -> memref<16xi32, #tpu.memory_space<vmem>>
      %dma_wait3A_349 = arith.constant 0 : i32
      %dma_wait3A_350 = arith.constant 0 : i32
      %dma_wait3A_351 = tpu.memref_slice %arg3[%dma_wait3A_349, %dma_wait3A_350] : memref<1000000x64xf32, #tpu.memory_space<hbm>> -> memref<1000000x64xf32, #tpu.memory_space<hbm>>
      tpu.wait_indirect_dma semaphore(%arg10 : memref<!tpu.dma_semaphore, #tpu.memory_space<semaphore_mem>>) src(%dma_wait3A_351 : memref<1000000x64xf32, #tpu.memory_space<hbm>>) dst(%dma_wait3A_345 : memref<16x64xf32, #tpu.memory_space<vmem>>)
      %mul3A_352 = arith.constant 400 : i32
      %mul3A_353 = arith.muli %add3A_282, %mul3A_352 : i32
      %add3A_354 = arith.addi %mul3A_2, %mul3A_353 : i32
      %dma_start3A_355 = arith.constant 1 : i32
      %dma_start3A_356 = arith.constant 0 : i32
      %dma_start3A_357 = arith.constant 0 : i32
      %dma_start3A_358 = tpu.memref_slice %arg7[%dma_start3A_355, %dma_start3A_356, %dma_start3A_357] : memref<4x400x64xf32, #tpu.memory_space<vmem>> -> memref<1x400x64xf32, #tpu.memory_space<vmem>>
      %dma_start3A_359 = tpu.memref_squeeze %dma_start3A_358 : memref<1x400x64xf32, #tpu.memory_space<vmem>> -> memref<400x64xf32, #tpu.memory_space<vmem>>
      %dma_start3A_360 = arith.constant 0 : i32
      %dma_start3A_361 = tpu.memref_slice %arg5[%add3A_354, %dma_start3A_360] : memref<819200x128xf32, #tpu.memory_space<hbm>> -> memref<400x64xf32, #tpu.memory_space<hbm>>
      %dma_start3A_362 = arith.constant 0 : i32
      %dma_start3A_363 = tpu.memref_slice %arg5[%add3A_354, %dma_start3A_362] : memref<819200x128xf32, #tpu.memory_space<hbm>> -> memref<400x64xf32, #tpu.memory_space<hbm>>
      %dma_start3A_364 = arith.constant 0 : i32
      %dma_start3A_365 = arith.constant 0 : i32
      %dma_start3A_366 = tpu.memref_slice %arg7[%dma_start3A_355, %dma_start3A_364, %dma_start3A_365] : memref<4x400x64xf32, #tpu.memory_space<vmem>> -> memref<1x400x64xf32, #tpu.memory_space<vmem>>
      %dma_start3A_367 = tpu.memref_squeeze %dma_start3A_366 : memref<1x400x64xf32, #tpu.memory_space<vmem>> -> memref<400x64xf32, #tpu.memory_space<vmem>>
      tpu.enqueue_dma source(%dma_start3A_367 : memref<400x64xf32, #tpu.memory_space<vmem>>) target(%dma_start3A_363 : memref<400x64xf32, #tpu.memory_space<hbm>>) target_semaphore(%arg14 : memref<!tpu.dma_semaphore, #tpu.memory_space<semaphore_mem>>)
      %mul3A_368 = arith.constant 4 : i32
      %mul3A_369 = arith.muli %mul3A_368, %add3A_190 : i32
      %add3A_370 = arith.constant 2 : i32
      %add3A_371 = arith.addi %mul3A_369, %add3A_370 : i32
      %add3A_372 = arith.constant 3 : i32
      %add3A_373 = arith.addi %add3A_371, %add3A_372 : i32
      %lt3A_374 = arith.constant 64 : i32
      %lt3A_375 = arith.cmpi slt, %add3A_373, %lt3A_374 : i32
      %convert_element_type3A_376 = arith.extui %lt3A_375 : i1 to i32
      %cond3A_377 = arith.constant 0 : i32
      %cond3A_378 = arith.cmpi ne, %convert_element_type3A_376, %cond3A_377 : i32
      scf.if %cond3A_378 {
        %add3A_546 = arith.constant 3 : i32
        %add3A_547 = arith.addi %add3A_371, %add3A_546 : i32
        %mul3A_548 = arith.constant 400 : i32
        %mul3A_549 = arith.muli %add3A_547, %mul3A_548 : i32
        %add3A_550 = arith.addi %mul3A_2, %mul3A_549 : i32
        %dma_start3A_551 = arith.constant 1 : i32
        %dma_start3A_552 = arith.constant 0 : i32
        %dma_start3A_553 = tpu.memref_slice %arg6[%dma_start3A_551, %dma_start3A_552] : memref<4x400xi32, #tpu.memory_space<vmem>> -> memref<1x400xi32, #tpu.memory_space<vmem>>
        %dma_start3A_554 = tpu.memref_squeeze %dma_start3A_553 : memref<1x400xi32, #tpu.memory_space<vmem>> -> memref<400xi32, #tpu.memory_space<vmem>>
        %dma_start3A_555 = tpu.memref_slice %arg2[%add3A_550] : memref<819200xi32, #tpu.memory_space<hbm>> -> memref<400xi32, #tpu.memory_space<hbm>>
        %dma_start3A_556 = arith.constant 0 : i32
        %dma_start3A_557 = tpu.memref_slice %arg6[%dma_start3A_551, %dma_start3A_556] : memref<4x400xi32, #tpu.memory_space<vmem>> -> memref<1x400xi32, #tpu.memory_space<vmem>>
        %dma_start3A_558 = tpu.memref_squeeze %dma_start3A_557 : memref<1x400xi32, #tpu.memory_space<vmem>> -> memref<400xi32, #tpu.memory_space<vmem>>
        %dma_start3A_559 = tpu.memref_slice %arg2[%add3A_550] : memref<819200xi32, #tpu.memory_space<hbm>> -> memref<400xi32, #tpu.memory_space<hbm>>
        tpu.enqueue_dma source(%dma_start3A_559 : memref<400xi32, #tpu.memory_space<hbm>>) target(%dma_start3A_558 : memref<400xi32, #tpu.memory_space<vmem>>) target_semaphore(%arg22 : memref<!tpu.dma_semaphore, #tpu.memory_space<semaphore_mem>>)
      } else {
      }
      %add3A_379 = arith.constant 2 : i32
      %add3A_380 = arith.addi %add3A_371, %add3A_379 : i32
      %lt3A_381 = arith.constant 64 : i32
      %lt3A_382 = arith.cmpi slt, %add3A_380, %lt3A_381 : i32
      %convert_element_type3A_383 = arith.extui %lt3A_382 : i1 to i32
      %cond3A_384 = arith.constant 0 : i32
      %cond3A_385 = arith.cmpi ne, %convert_element_type3A_383, %cond3A_384 : i32
      scf.if %cond3A_385 {
        %ge3A = arith.constant 2 : i32
        %ge3A_546 = arith.cmpi sge, %add3A_371, %ge3A : i32
        %convert_element_type3A_547 = arith.extui %ge3A_546 : i1 to i32
        %cond3A_548 = arith.constant 0 : i32
        %cond3A_549 = arith.cmpi ne, %convert_element_type3A_547, %cond3A_548 : i32
        scf.if %cond3A_549 {
          %sub3A = arith.constant 2 : i32
          %sub3A_559 = arith.subi %add3A_371, %sub3A : i32
          %mul3A_560 = arith.constant 400 : i32
          %mul3A_561 = arith.muli %sub3A_559, %mul3A_560 : i32
          %add3A_562 = arith.addi %mul3A_2, %mul3A_561 : i32
          %dma_wait3A_563 = arith.constant 0 : i32
          %dma_wait3A_564 = arith.constant 0 : i32
          %dma_wait3A_565 = arith.constant 0 : i32
          %dma_wait3A_566 = tpu.memref_slice %arg7[%dma_wait3A_563, %dma_wait3A_564, %dma_wait3A_565] : memref<4x400x64xf32, #tpu.memory_space<vmem>> -> memref<1x400x64xf32, #tpu.memory_space<vmem>>
          %dma_wait3A_567 = tpu.memref_squeeze %dma_wait3A_566 : memref<1x400x64xf32, #tpu.memory_space<vmem>> -> memref<400x64xf32, #tpu.memory_space<vmem>>
          %dma_wait3A_568 = arith.constant 0 : i32
          %dma_wait3A_569 = tpu.memref_slice %arg5[%add3A_562, %dma_wait3A_568] : memref<819200x128xf32, #tpu.memory_space<hbm>> -> memref<400x64xf32, #tpu.memory_space<hbm>>
          %dma_wait3A_570 = arith.constant 0 : i32
          %dma_wait3A_571 = tpu.memref_slice %arg5[%add3A_562, %dma_wait3A_570] : memref<819200x128xf32, #tpu.memory_space<hbm>> -> memref<400x64xf32, #tpu.memory_space<hbm>>
          %dma_wait3A_572 = arith.constant 0 : i32
          %dma_wait3A_573 = arith.constant 0 : i32
          %dma_wait3A_574 = tpu.memref_slice %arg7[%dma_wait3A_563, %dma_wait3A_572, %dma_wait3A_573] : memref<4x400x64xf32, #tpu.memory_space<vmem>> -> memref<1x400x64xf32, #tpu.memory_space<vmem>>
          %dma_wait3A_575 = tpu.memref_squeeze %dma_wait3A_574 : memref<1x400x64xf32, #tpu.memory_space<vmem>> -> memref<400x64xf32, #tpu.memory_space<vmem>>
          tpu.wait_dma2 semaphore(%arg13 : memref<!tpu.dma_semaphore, #tpu.memory_space<semaphore_mem>>) src(%dma_wait3A_575 : memref<400x64xf32, #tpu.memory_space<vmem>>) dst(%dma_wait3A_571 : memref<400x64xf32, #tpu.memory_space<hbm>>)
        } else {
        }
        %dma_start3A_550 = arith.constant 0 : i32
        %dma_start3A_551 = arith.constant 0 : i32
        %dma_start3A_552 = arith.constant 0 : i32
        %dma_start3A_553 = tpu.memref_slice %arg7[%dma_start3A_550, %dma_start3A_551, %dma_start3A_552] : memref<4x400x64xf32, #tpu.memory_space<vmem>> -> memref<1x400x64xf32, #tpu.memory_space<vmem>>
        %dma_start3A_554 = tpu.memref_squeeze %dma_start3A_553 : memref<1x400x64xf32, #tpu.memory_space<vmem>> -> memref<400x64xf32, #tpu.memory_space<vmem>>
        %dma_start3A_555 = arith.constant 0 : i32
        %dma_start3A_556 = arith.constant 0 : i32
        %dma_start3A_557 = tpu.memref_slice %arg7[%dma_start3A_550, %dma_start3A_555, %dma_start3A_556] : memref<4x400x64xf32, #tpu.memory_space<vmem>> -> memref<1x400x64xf32, #tpu.memory_space<vmem>>
        %dma_start3A_558 = tpu.memref_squeeze %dma_start3A_557 : memref<1x400x64xf32, #tpu.memory_space<vmem>> -> memref<400x64xf32, #tpu.memory_space<vmem>>
        tpu.enqueue_dma source(%arg8 : memref<400x64xf32, #tpu.memory_space<vmem_shared>>) target(%dma_start3A_558 : memref<400x64xf32, #tpu.memory_space<vmem>>) target_semaphore(%arg17 : memref<!tpu.dma_semaphore, #tpu.memory_space<semaphore_mem>>)
      } else {
      }
      %add3A_386 = arith.constant 1 : i32
      %add3A_387 = arith.addi %add3A_371, %add3A_386 : i32
      %lt3A_388 = arith.constant 64 : i32
      %lt3A_389 = arith.cmpi slt, %add3A_387, %lt3A_388 : i32
      %convert_element_type3A_390 = arith.extui %lt3A_389 : i1 to i32
      %cond3A_391 = arith.constant 0 : i32
      %cond3A_392 = arith.cmpi ne, %convert_element_type3A_390, %cond3A_391 : i32
      scf.if %cond3A_392 {
        %add3A_546 = arith.constant 1 : i32
        %add3A_547 = arith.addi %add3A_371, %add3A_546 : i32
        %mul3A_548 = arith.constant 400 : i32
        %mul3A_549 = arith.muli %add3A_547, %mul3A_548 : i32
        %add3A_550 = arith.addi %mul3A_2, %mul3A_549 : i32
        %dma_wait3A_551 = arith.constant 3 : i32
        %dma_wait3A_552 = arith.constant 0 : i32
        %dma_wait3A_553 = tpu.memref_slice %arg6[%dma_wait3A_551, %dma_wait3A_552] : memref<4x400xi32, #tpu.memory_space<vmem>> -> memref<1x400xi32, #tpu.memory_space<vmem>>
        %dma_wait3A_554 = tpu.memref_squeeze %dma_wait3A_553 : memref<1x400xi32, #tpu.memory_space<vmem>> -> memref<400xi32, #tpu.memory_space<vmem>>
        %dma_wait3A_555 = tpu.memref_slice %arg2[%add3A_550] : memref<819200xi32, #tpu.memory_space<hbm>> -> memref<400xi32, #tpu.memory_space<hbm>>
        %dma_wait3A_556 = arith.constant 0 : i32
        %dma_wait3A_557 = tpu.memref_slice %arg6[%dma_wait3A_551, %dma_wait3A_556] : memref<4x400xi32, #tpu.memory_space<vmem>> -> memref<1x400xi32, #tpu.memory_space<vmem>>
        %dma_wait3A_558 = tpu.memref_squeeze %dma_wait3A_557 : memref<1x400xi32, #tpu.memory_space<vmem>> -> memref<400xi32, #tpu.memory_space<vmem>>
        %dma_wait3A_559 = tpu.memref_slice %arg2[%add3A_550] : memref<819200xi32, #tpu.memory_space<hbm>> -> memref<400xi32, #tpu.memory_space<hbm>>
        tpu.wait_dma2 semaphore(%arg24 : memref<!tpu.dma_semaphore, #tpu.memory_space<semaphore_mem>>) src(%dma_wait3A_559 : memref<400xi32, #tpu.memory_space<hbm>>) dst(%dma_wait3A_558 : memref<400xi32, #tpu.memory_space<vmem>>)
        %dma_wait3A_560 = arith.constant 3 : i32
        %dma_wait3A_561 = arith.constant 0 : i32
        %dma_wait3A_562 = arith.constant 0 : i32
        %dma_wait3A_563 = tpu.memref_slice %arg7[%dma_wait3A_560, %dma_wait3A_561, %dma_wait3A_562] : memref<4x400x64xf32, #tpu.memory_space<vmem>> -> memref<1x400x64xf32, #tpu.memory_space<vmem>>
        %dma_wait3A_564 = tpu.memref_squeeze %dma_wait3A_563 : memref<1x400x64xf32, #tpu.memory_space<vmem>> -> memref<400x64xf32, #tpu.memory_space<vmem>>
        %dma_wait3A_565 = arith.constant 0 : i32
        %dma_wait3A_566 = arith.constant 0 : i32
        %dma_wait3A_567 = tpu.memref_slice %arg7[%dma_wait3A_560, %dma_wait3A_565, %dma_wait3A_566] : memref<4x400x64xf32, #tpu.memory_space<vmem>> -> memref<1x400x64xf32, #tpu.memory_space<vmem>>
        %dma_wait3A_568 = tpu.memref_squeeze %dma_wait3A_567 : memref<1x400x64xf32, #tpu.memory_space<vmem>> -> memref<400x64xf32, #tpu.memory_space<vmem>>
        tpu.wait_dma2 semaphore(%arg20 : memref<!tpu.dma_semaphore, #tpu.memory_space<semaphore_mem>>) src(%arg8 : memref<400x64xf32, #tpu.memory_space<vmem_shared>>) dst(%dma_wait3A_568 : memref<400x64xf32, #tpu.memory_space<vmem>>)
        %dma_start3A_569 = arith.constant 3 : i32
        %dma_start3A_570 = arith.constant 3 : i32
        %dma_start3A_571 = arith.constant 0 : i32
        %dma_start3A_572 = arith.constant 0 : i32
        %dma_start3A_573 = tpu.memref_slice %arg7[%dma_start3A_570, %dma_start3A_571, %dma_start3A_572] : memref<4x400x64xf32, #tpu.memory_space<vmem>> -> memref<1x128x64xf32, #tpu.memory_space<vmem>>
        %dma_start3A_574 = tpu.memref_squeeze %dma_start3A_573 : memref<1x128x64xf32, #tpu.memory_space<vmem>> -> memref<128x64xf32, #tpu.memory_space<vmem>>
        %dma_start3A_575 = arith.constant 0 : i32
        %dma_start3A_576 = tpu.memref_slice %arg6[%dma_start3A_569, %dma_start3A_575] : memref<4x400xi32, #tpu.memory_space<vmem>> -> memref<1x128xi32, #tpu.memory_space<vmem>>
        %dma_start3A_577 = tpu.memref_squeeze %dma_start3A_576 : memref<1x128xi32, #tpu.memory_space<vmem>> -> memref<128xi32, #tpu.memory_space<vmem>>
        %dma_start3A_578 = arith.constant 0 : i32
        %dma_start3A_579 = arith.constant 0 : i32
        %dma_start3A_580 = tpu.memref_slice %arg3[%dma_start3A_578, %dma_start3A_579] : memref<1000000x64xf32, #tpu.memory_space<hbm>> -> memref<1000000x64xf32, #tpu.memory_space<hbm>>
        tpu.enqueue_indirect_dma source(%dma_start3A_580 : memref<1000000x64xf32, #tpu.memory_space<hbm>>) target(%dma_start3A_574 : memref<128x64xf32, #tpu.memory_space<vmem>>) offsets(%dma_start3A_577 : memref<128xi32, #tpu.memory_space<vmem>>) semaphore(%arg12 : memref<!tpu.dma_semaphore, #tpu.memory_space<semaphore_mem>>) {add = true}
        %dma_start3A_581 = arith.constant 3 : i32
        %dma_start3A_582 = arith.constant 3 : i32
        %dma_start3A_583 = arith.constant 128 : i32
        %dma_start3A_584 = arith.constant 0 : i32
        %dma_start3A_585 = tpu.memref_slice %arg7[%dma_start3A_582, %dma_start3A_583, %dma_start3A_584] : memref<4x400x64xf32, #tpu.memory_space<vmem>> -> memref<1x128x64xf32, #tpu.memory_space<vmem>>
        %dma_start3A_586 = tpu.memref_squeeze %dma_start3A_585 : memref<1x128x64xf32, #tpu.memory_space<vmem>> -> memref<128x64xf32, #tpu.memory_space<vmem>>
        %dma_start3A_587 = arith.constant 128 : i32
        %dma_start3A_588 = tpu.memref_slice %arg6[%dma_start3A_581, %dma_start3A_587] : memref<4x400xi32, #tpu.memory_space<vmem>> -> memref<1x128xi32, #tpu.memory_space<vmem>>
        %dma_start3A_589 = tpu.memref_squeeze %dma_start3A_588 : memref<1x128xi32, #tpu.memory_space<vmem>> -> memref<128xi32, #tpu.memory_space<vmem>>
        %dma_start3A_590 = arith.constant 0 : i32
        %dma_start3A_591 = arith.constant 0 : i32
        %dma_start3A_592 = tpu.memref_slice %arg3[%dma_start3A_590, %dma_start3A_591] : memref<1000000x64xf32, #tpu.memory_space<hbm>> -> memref<1000000x64xf32, #tpu.memory_space<hbm>>
        tpu.enqueue_indirect_dma source(%dma_start3A_592 : memref<1000000x64xf32, #tpu.memory_space<hbm>>) target(%dma_start3A_586 : memref<128x64xf32, #tpu.memory_space<vmem>>) offsets(%dma_start3A_589 : memref<128xi32, #tpu.memory_space<vmem>>) semaphore(%arg12 : memref<!tpu.dma_semaphore, #tpu.memory_space<semaphore_mem>>) {add = true}
        %dma_start3A_593 = arith.constant 3 : i32
        %dma_start3A_594 = arith.constant 3 : i32
        %dma_start3A_595 = arith.constant 256 : i32
        %dma_start3A_596 = arith.constant 0 : i32
        %dma_start3A_597 = tpu.memref_slice %arg7[%dma_start3A_594, %dma_start3A_595, %dma_start3A_596] : memref<4x400x64xf32, #tpu.memory_space<vmem>> -> memref<1x128x64xf32, #tpu.memory_space<vmem>>
        %dma_start3A_598 = tpu.memref_squeeze %dma_start3A_597 : memref<1x128x64xf32, #tpu.memory_space<vmem>> -> memref<128x64xf32, #tpu.memory_space<vmem>>
        %dma_start3A_599 = arith.constant 256 : i32
        %dma_start3A_600 = tpu.memref_slice %arg6[%dma_start3A_593, %dma_start3A_599] : memref<4x400xi32, #tpu.memory_space<vmem>> -> memref<1x128xi32, #tpu.memory_space<vmem>>
        %dma_start3A_601 = tpu.memref_squeeze %dma_start3A_600 : memref<1x128xi32, #tpu.memory_space<vmem>> -> memref<128xi32, #tpu.memory_space<vmem>>
        %dma_start3A_602 = arith.constant 0 : i32
        %dma_start3A_603 = arith.constant 0 : i32
        %dma_start3A_604 = tpu.memref_slice %arg3[%dma_start3A_602, %dma_start3A_603] : memref<1000000x64xf32, #tpu.memory_space<hbm>> -> memref<1000000x64xf32, #tpu.memory_space<hbm>>
        tpu.enqueue_indirect_dma source(%dma_start3A_604 : memref<1000000x64xf32, #tpu.memory_space<hbm>>) target(%dma_start3A_598 : memref<128x64xf32, #tpu.memory_space<vmem>>) offsets(%dma_start3A_601 : memref<128xi32, #tpu.memory_space<vmem>>) semaphore(%arg12 : memref<!tpu.dma_semaphore, #tpu.memory_space<semaphore_mem>>) {add = true}
        %dma_start3A_605 = arith.constant 3 : i32
        %dma_start3A_606 = arith.constant 3 : i32
        %dma_start3A_607 = arith.constant 384 : i32
        %dma_start3A_608 = arith.constant 0 : i32
        %dma_start3A_609 = tpu.memref_slice %arg7[%dma_start3A_606, %dma_start3A_607, %dma_start3A_608] : memref<4x400x64xf32, #tpu.memory_space<vmem>> -> memref<1x16x64xf32, #tpu.memory_space<vmem>>
        %dma_start3A_610 = tpu.memref_squeeze %dma_start3A_609 : memref<1x16x64xf32, #tpu.memory_space<vmem>> -> memref<16x64xf32, #tpu.memory_space<vmem>>
        %dma_start3A_611 = arith.constant 384 : i32
        %dma_start3A_612 = tpu.memref_slice %arg6[%dma_start3A_605, %dma_start3A_611] : memref<4x400xi32, #tpu.memory_space<vmem>> -> memref<1x16xi32, #tpu.memory_space<vmem>>
        %dma_start3A_613 = tpu.memref_squeeze %dma_start3A_612 : memref<1x16xi32, #tpu.memory_space<vmem>> -> memref<16xi32, #tpu.memory_space<vmem>>
        %dma_start3A_614 = arith.constant 0 : i32
        %dma_start3A_615 = arith.constant 0 : i32
        %dma_start3A_616 = tpu.memref_slice %arg3[%dma_start3A_614, %dma_start3A_615] : memref<1000000x64xf32, #tpu.memory_space<hbm>> -> memref<1000000x64xf32, #tpu.memory_space<hbm>>
        tpu.enqueue_indirect_dma source(%dma_start3A_616 : memref<1000000x64xf32, #tpu.memory_space<hbm>>) target(%dma_start3A_610 : memref<16x64xf32, #tpu.memory_space<vmem>>) offsets(%dma_start3A_613 : memref<16xi32, #tpu.memory_space<vmem>>) semaphore(%arg12 : memref<!tpu.dma_semaphore, #tpu.memory_space<semaphore_mem>>) {add = true}
      } else {
      }
      %dma_wait3A_393 = arith.constant 2 : i32
      %dma_wait3A_394 = arith.constant 2 : i32
      %dma_wait3A_395 = arith.constant 0 : i32
      %dma_wait3A_396 = arith.constant 0 : i32
      %dma_wait3A_397 = tpu.memref_slice %arg7[%dma_wait3A_394, %dma_wait3A_395, %dma_wait3A_396] : memref<4x400x64xf32, #tpu.memory_space<vmem>> -> memref<1x128x64xf32, #tpu.memory_space<vmem>>
      %dma_wait3A_398 = tpu.memref_squeeze %dma_wait3A_397 : memref<1x128x64xf32, #tpu.memory_space<vmem>> -> memref<128x64xf32, #tpu.memory_space<vmem>>
      %dma_wait3A_399 = arith.constant 0 : i32
      %dma_wait3A_400 = tpu.memref_slice %arg6[%dma_wait3A_393, %dma_wait3A_399] : memref<4x400xi32, #tpu.memory_space<vmem>> -> memref<1x128xi32, #tpu.memory_space<vmem>>
      %dma_wait3A_401 = tpu.memref_squeeze %dma_wait3A_400 : memref<1x128xi32, #tpu.memory_space<vmem>> -> memref<128xi32, #tpu.memory_space<vmem>>
      %dma_wait3A_402 = arith.constant 0 : i32
      %dma_wait3A_403 = arith.constant 0 : i32
      %dma_wait3A_404 = tpu.memref_slice %arg3[%dma_wait3A_402, %dma_wait3A_403] : memref<1000000x64xf32, #tpu.memory_space<hbm>> -> memref<1000000x64xf32, #tpu.memory_space<hbm>>
      tpu.wait_indirect_dma semaphore(%arg11 : memref<!tpu.dma_semaphore, #tpu.memory_space<semaphore_mem>>) src(%dma_wait3A_404 : memref<1000000x64xf32, #tpu.memory_space<hbm>>) dst(%dma_wait3A_398 : memref<128x64xf32, #tpu.memory_space<vmem>>)
      %dma_wait3A_405 = arith.constant 2 : i32
      %dma_wait3A_406 = arith.constant 2 : i32
      %dma_wait3A_407 = arith.constant 128 : i32
      %dma_wait3A_408 = arith.constant 0 : i32
      %dma_wait3A_409 = tpu.memref_slice %arg7[%dma_wait3A_406, %dma_wait3A_407, %dma_wait3A_408] : memref<4x400x64xf32, #tpu.memory_space<vmem>> -> memref<1x128x64xf32, #tpu.memory_space<vmem>>
      %dma_wait3A_410 = tpu.memref_squeeze %dma_wait3A_409 : memref<1x128x64xf32, #tpu.memory_space<vmem>> -> memref<128x64xf32, #tpu.memory_space<vmem>>
      %dma_wait3A_411 = arith.constant 128 : i32
      %dma_wait3A_412 = tpu.memref_slice %arg6[%dma_wait3A_405, %dma_wait3A_411] : memref<4x400xi32, #tpu.memory_space<vmem>> -> memref<1x128xi32, #tpu.memory_space<vmem>>
      %dma_wait3A_413 = tpu.memref_squeeze %dma_wait3A_412 : memref<1x128xi32, #tpu.memory_space<vmem>> -> memref<128xi32, #tpu.memory_space<vmem>>
      %dma_wait3A_414 = arith.constant 0 : i32
      %dma_wait3A_415 = arith.constant 0 : i32
      %dma_wait3A_416 = tpu.memref_slice %arg3[%dma_wait3A_414, %dma_wait3A_415] : memref<1000000x64xf32, #tpu.memory_space<hbm>> -> memref<1000000x64xf32, #tpu.memory_space<hbm>>
      tpu.wait_indirect_dma semaphore(%arg11 : memref<!tpu.dma_semaphore, #tpu.memory_space<semaphore_mem>>) src(%dma_wait3A_416 : memref<1000000x64xf32, #tpu.memory_space<hbm>>) dst(%dma_wait3A_410 : memref<128x64xf32, #tpu.memory_space<vmem>>)
      %dma_wait3A_417 = arith.constant 2 : i32
      %dma_wait3A_418 = arith.constant 2 : i32
      %dma_wait3A_419 = arith.constant 256 : i32
      %dma_wait3A_420 = arith.constant 0 : i32
      %dma_wait3A_421 = tpu.memref_slice %arg7[%dma_wait3A_418, %dma_wait3A_419, %dma_wait3A_420] : memref<4x400x64xf32, #tpu.memory_space<vmem>> -> memref<1x128x64xf32, #tpu.memory_space<vmem>>
      %dma_wait3A_422 = tpu.memref_squeeze %dma_wait3A_421 : memref<1x128x64xf32, #tpu.memory_space<vmem>> -> memref<128x64xf32, #tpu.memory_space<vmem>>
      %dma_wait3A_423 = arith.constant 256 : i32
      %dma_wait3A_424 = tpu.memref_slice %arg6[%dma_wait3A_417, %dma_wait3A_423] : memref<4x400xi32, #tpu.memory_space<vmem>> -> memref<1x128xi32, #tpu.memory_space<vmem>>
      %dma_wait3A_425 = tpu.memref_squeeze %dma_wait3A_424 : memref<1x128xi32, #tpu.memory_space<vmem>> -> memref<128xi32, #tpu.memory_space<vmem>>
      %dma_wait3A_426 = arith.constant 0 : i32
      %dma_wait3A_427 = arith.constant 0 : i32
      %dma_wait3A_428 = tpu.memref_slice %arg3[%dma_wait3A_426, %dma_wait3A_427] : memref<1000000x64xf32, #tpu.memory_space<hbm>> -> memref<1000000x64xf32, #tpu.memory_space<hbm>>
      tpu.wait_indirect_dma semaphore(%arg11 : memref<!tpu.dma_semaphore, #tpu.memory_space<semaphore_mem>>) src(%dma_wait3A_428 : memref<1000000x64xf32, #tpu.memory_space<hbm>>) dst(%dma_wait3A_422 : memref<128x64xf32, #tpu.memory_space<vmem>>)
      %dma_wait3A_429 = arith.constant 2 : i32
      %dma_wait3A_430 = arith.constant 2 : i32
      %dma_wait3A_431 = arith.constant 384 : i32
      %dma_wait3A_432 = arith.constant 0 : i32
      %dma_wait3A_433 = tpu.memref_slice %arg7[%dma_wait3A_430, %dma_wait3A_431, %dma_wait3A_432] : memref<4x400x64xf32, #tpu.memory_space<vmem>> -> memref<1x16x64xf32, #tpu.memory_space<vmem>>
      %dma_wait3A_434 = tpu.memref_squeeze %dma_wait3A_433 : memref<1x16x64xf32, #tpu.memory_space<vmem>> -> memref<16x64xf32, #tpu.memory_space<vmem>>
      %dma_wait3A_435 = arith.constant 384 : i32
      %dma_wait3A_436 = tpu.memref_slice %arg6[%dma_wait3A_429, %dma_wait3A_435] : memref<4x400xi32, #tpu.memory_space<vmem>> -> memref<1x16xi32, #tpu.memory_space<vmem>>
      %dma_wait3A_437 = tpu.memref_squeeze %dma_wait3A_436 : memref<1x16xi32, #tpu.memory_space<vmem>> -> memref<16xi32, #tpu.memory_space<vmem>>
      %dma_wait3A_438 = arith.constant 0 : i32
      %dma_wait3A_439 = arith.constant 0 : i32
      %dma_wait3A_440 = tpu.memref_slice %arg3[%dma_wait3A_438, %dma_wait3A_439] : memref<1000000x64xf32, #tpu.memory_space<hbm>> -> memref<1000000x64xf32, #tpu.memory_space<hbm>>
      tpu.wait_indirect_dma semaphore(%arg11 : memref<!tpu.dma_semaphore, #tpu.memory_space<semaphore_mem>>) src(%dma_wait3A_440 : memref<1000000x64xf32, #tpu.memory_space<hbm>>) dst(%dma_wait3A_434 : memref<16x64xf32, #tpu.memory_space<vmem>>)
      %mul3A_441 = arith.constant 400 : i32
      %mul3A_442 = arith.muli %add3A_371, %mul3A_441 : i32
      %add3A_443 = arith.addi %mul3A_2, %mul3A_442 : i32
      %dma_start3A_444 = arith.constant 2 : i32
      %dma_start3A_445 = arith.constant 0 : i32
      %dma_start3A_446 = arith.constant 0 : i32
      %dma_start3A_447 = tpu.memref_slice %arg7[%dma_start3A_444, %dma_start3A_445, %dma_start3A_446] : memref<4x400x64xf32, #tpu.memory_space<vmem>> -> memref<1x400x64xf32, #tpu.memory_space<vmem>>
      %dma_start3A_448 = tpu.memref_squeeze %dma_start3A_447 : memref<1x400x64xf32, #tpu.memory_space<vmem>> -> memref<400x64xf32, #tpu.memory_space<vmem>>
      %dma_start3A_449 = arith.constant 0 : i32
      %dma_start3A_450 = tpu.memref_slice %arg5[%add3A_443, %dma_start3A_449] : memref<819200x128xf32, #tpu.memory_space<hbm>> -> memref<400x64xf32, #tpu.memory_space<hbm>>
      %dma_start3A_451 = arith.constant 0 : i32
      %dma_start3A_452 = tpu.memref_slice %arg5[%add3A_443, %dma_start3A_451] : memref<819200x128xf32, #tpu.memory_space<hbm>> -> memref<400x64xf32, #tpu.memory_space<hbm>>
      %dma_start3A_453 = arith.constant 0 : i32
      %dma_start3A_454 = arith.constant 0 : i32
      %dma_start3A_455 = tpu.memref_slice %arg7[%dma_start3A_444, %dma_start3A_453, %dma_start3A_454] : memref<4x400x64xf32, #tpu.memory_space<vmem>> -> memref<1x400x64xf32, #tpu.memory_space<vmem>>
      %dma_start3A_456 = tpu.memref_squeeze %dma_start3A_455 : memref<1x400x64xf32, #tpu.memory_space<vmem>> -> memref<400x64xf32, #tpu.memory_space<vmem>>
      tpu.enqueue_dma source(%dma_start3A_456 : memref<400x64xf32, #tpu.memory_space<vmem>>) target(%dma_start3A_452 : memref<400x64xf32, #tpu.memory_space<hbm>>) target_semaphore(%arg15 : memref<!tpu.dma_semaphore, #tpu.memory_space<semaphore_mem>>)
      %mul3A_457 = arith.constant 4 : i32
      %mul3A_458 = arith.muli %mul3A_457, %add3A_190 : i32
      %add3A_459 = arith.constant 3 : i32
      %add3A_460 = arith.addi %mul3A_458, %add3A_459 : i32
      %add3A_461 = arith.constant 3 : i32
      %add3A_462 = arith.addi %add3A_460, %add3A_461 : i32
      %lt3A_463 = arith.constant 64 : i32
      %lt3A_464 = arith.cmpi slt, %add3A_462, %lt3A_463 : i32
      %convert_element_type3A_465 = arith.extui %lt3A_464 : i1 to i32
      %cond3A_466 = arith.constant 0 : i32
      %cond3A_467 = arith.cmpi ne, %convert_element_type3A_465, %cond3A_466 : i32
      scf.if %cond3A_467 {
        %add3A_546 = arith.constant 3 : i32
        %add3A_547 = arith.addi %add3A_460, %add3A_546 : i32
        %mul3A_548 = arith.constant 400 : i32
        %mul3A_549 = arith.muli %add3A_547, %mul3A_548 : i32
        %add3A_550 = arith.addi %mul3A_2, %mul3A_549 : i32
        %dma_start3A_551 = arith.constant 2 : i32
        %dma_start3A_552 = arith.constant 0 : i32
        %dma_start3A_553 = tpu.memref_slice %arg6[%dma_start3A_551, %dma_start3A_552] : memref<4x400xi32, #tpu.memory_space<vmem>> -> memref<1x400xi32, #tpu.memory_space<vmem>>
        %dma_start3A_554 = tpu.memref_squeeze %dma_start3A_553 : memref<1x400xi32, #tpu.memory_space<vmem>> -> memref<400xi32, #tpu.memory_space<vmem>>
        %dma_start3A_555 = tpu.memref_slice %arg2[%add3A_550] : memref<819200xi32, #tpu.memory_space<hbm>> -> memref<400xi32, #tpu.memory_space<hbm>>
        %dma_start3A_556 = arith.constant 0 : i32
        %dma_start3A_557 = tpu.memref_slice %arg6[%dma_start3A_551, %dma_start3A_556] : memref<4x400xi32, #tpu.memory_space<vmem>> -> memref<1x400xi32, #tpu.memory_space<vmem>>
        %dma_start3A_558 = tpu.memref_squeeze %dma_start3A_557 : memref<1x400xi32, #tpu.memory_space<vmem>> -> memref<400xi32, #tpu.memory_space<vmem>>
        %dma_start3A_559 = tpu.memref_slice %arg2[%add3A_550] : memref<819200xi32, #tpu.memory_space<hbm>> -> memref<400xi32, #tpu.memory_space<hbm>>
        tpu.enqueue_dma source(%dma_start3A_559 : memref<400xi32, #tpu.memory_space<hbm>>) target(%dma_start3A_558 : memref<400xi32, #tpu.memory_space<vmem>>) target_semaphore(%arg23 : memref<!tpu.dma_semaphore, #tpu.memory_space<semaphore_mem>>)
      } else {
      }
      %add3A_468 = arith.constant 2 : i32
      %add3A_469 = arith.addi %add3A_460, %add3A_468 : i32
      %lt3A_470 = arith.constant 64 : i32
      %lt3A_471 = arith.cmpi slt, %add3A_469, %lt3A_470 : i32
      %convert_element_type3A_472 = arith.extui %lt3A_471 : i1 to i32
      %cond3A_473 = arith.constant 0 : i32
      %cond3A_474 = arith.cmpi ne, %convert_element_type3A_472, %cond3A_473 : i32
      scf.if %cond3A_474 {
        %ge3A = arith.constant 2 : i32
        %ge3A_546 = arith.cmpi sge, %add3A_460, %ge3A : i32
        %convert_element_type3A_547 = arith.extui %ge3A_546 : i1 to i32
        %cond3A_548 = arith.constant 0 : i32
        %cond3A_549 = arith.cmpi ne, %convert_element_type3A_547, %cond3A_548 : i32
        scf.if %cond3A_549 {
          %sub3A = arith.constant 2 : i32
          %sub3A_559 = arith.subi %add3A_460, %sub3A : i32
          %mul3A_560 = arith.constant 400 : i32
          %mul3A_561 = arith.muli %sub3A_559, %mul3A_560 : i32
          %add3A_562 = arith.addi %mul3A_2, %mul3A_561 : i32
          %dma_wait3A_563 = arith.constant 1 : i32
          %dma_wait3A_564 = arith.constant 0 : i32
          %dma_wait3A_565 = arith.constant 0 : i32
          %dma_wait3A_566 = tpu.memref_slice %arg7[%dma_wait3A_563, %dma_wait3A_564, %dma_wait3A_565] : memref<4x400x64xf32, #tpu.memory_space<vmem>> -> memref<1x400x64xf32, #tpu.memory_space<vmem>>
          %dma_wait3A_567 = tpu.memref_squeeze %dma_wait3A_566 : memref<1x400x64xf32, #tpu.memory_space<vmem>> -> memref<400x64xf32, #tpu.memory_space<vmem>>
          %dma_wait3A_568 = arith.constant 0 : i32
          %dma_wait3A_569 = tpu.memref_slice %arg5[%add3A_562, %dma_wait3A_568] : memref<819200x128xf32, #tpu.memory_space<hbm>> -> memref<400x64xf32, #tpu.memory_space<hbm>>
          %dma_wait3A_570 = arith.constant 0 : i32
          %dma_wait3A_571 = tpu.memref_slice %arg5[%add3A_562, %dma_wait3A_570] : memref<819200x128xf32, #tpu.memory_space<hbm>> -> memref<400x64xf32, #tpu.memory_space<hbm>>
          %dma_wait3A_572 = arith.constant 0 : i32
          %dma_wait3A_573 = arith.constant 0 : i32
          %dma_wait3A_574 = tpu.memref_slice %arg7[%dma_wait3A_563, %dma_wait3A_572, %dma_wait3A_573] : memref<4x400x64xf32, #tpu.memory_space<vmem>> -> memref<1x400x64xf32, #tpu.memory_space<vmem>>
          %dma_wait3A_575 = tpu.memref_squeeze %dma_wait3A_574 : memref<1x400x64xf32, #tpu.memory_space<vmem>> -> memref<400x64xf32, #tpu.memory_space<vmem>>
          tpu.wait_dma2 semaphore(%arg14 : memref<!tpu.dma_semaphore, #tpu.memory_space<semaphore_mem>>) src(%dma_wait3A_575 : memref<400x64xf32, #tpu.memory_space<vmem>>) dst(%dma_wait3A_571 : memref<400x64xf32, #tpu.memory_space<hbm>>)
        } else {
        }
        %dma_start3A_550 = arith.constant 1 : i32
        %dma_start3A_551 = arith.constant 0 : i32
        %dma_start3A_552 = arith.constant 0 : i32
        %dma_start3A_553 = tpu.memref_slice %arg7[%dma_start3A_550, %dma_start3A_551, %dma_start3A_552] : memref<4x400x64xf32, #tpu.memory_space<vmem>> -> memref<1x400x64xf32, #tpu.memory_space<vmem>>
        %dma_start3A_554 = tpu.memref_squeeze %dma_start3A_553 : memref<1x400x64xf32, #tpu.memory_space<vmem>> -> memref<400x64xf32, #tpu.memory_space<vmem>>
        %dma_start3A_555 = arith.constant 0 : i32
        %dma_start3A_556 = arith.constant 0 : i32
        %dma_start3A_557 = tpu.memref_slice %arg7[%dma_start3A_550, %dma_start3A_555, %dma_start3A_556] : memref<4x400x64xf32, #tpu.memory_space<vmem>> -> memref<1x400x64xf32, #tpu.memory_space<vmem>>
        %dma_start3A_558 = tpu.memref_squeeze %dma_start3A_557 : memref<1x400x64xf32, #tpu.memory_space<vmem>> -> memref<400x64xf32, #tpu.memory_space<vmem>>
        tpu.enqueue_dma source(%arg8 : memref<400x64xf32, #tpu.memory_space<vmem_shared>>) target(%dma_start3A_558 : memref<400x64xf32, #tpu.memory_space<vmem>>) target_semaphore(%arg18 : memref<!tpu.dma_semaphore, #tpu.memory_space<semaphore_mem>>)
      } else {
      }
      %add3A_475 = arith.constant 1 : i32
      %add3A_476 = arith.addi %add3A_460, %add3A_475 : i32
      %lt3A_477 = arith.constant 64 : i32
      %lt3A_478 = arith.cmpi slt, %add3A_476, %lt3A_477 : i32
      %convert_element_type3A_479 = arith.extui %lt3A_478 : i1 to i32
      %cond3A_480 = arith.constant 0 : i32
      %cond3A_481 = arith.cmpi ne, %convert_element_type3A_479, %cond3A_480 : i32
      scf.if %cond3A_481 {
        %add3A_546 = arith.constant 1 : i32
        %add3A_547 = arith.addi %add3A_460, %add3A_546 : i32
        %mul3A_548 = arith.constant 400 : i32
        %mul3A_549 = arith.muli %add3A_547, %mul3A_548 : i32
        %add3A_550 = arith.addi %mul3A_2, %mul3A_549 : i32
        %dma_wait3A_551 = arith.constant 0 : i32
        %dma_wait3A_552 = arith.constant 0 : i32
        %dma_wait3A_553 = tpu.memref_slice %arg6[%dma_wait3A_551, %dma_wait3A_552] : memref<4x400xi32, #tpu.memory_space<vmem>> -> memref<1x400xi32, #tpu.memory_space<vmem>>
        %dma_wait3A_554 = tpu.memref_squeeze %dma_wait3A_553 : memref<1x400xi32, #tpu.memory_space<vmem>> -> memref<400xi32, #tpu.memory_space<vmem>>
        %dma_wait3A_555 = tpu.memref_slice %arg2[%add3A_550] : memref<819200xi32, #tpu.memory_space<hbm>> -> memref<400xi32, #tpu.memory_space<hbm>>
        %dma_wait3A_556 = arith.constant 0 : i32
        %dma_wait3A_557 = tpu.memref_slice %arg6[%dma_wait3A_551, %dma_wait3A_556] : memref<4x400xi32, #tpu.memory_space<vmem>> -> memref<1x400xi32, #tpu.memory_space<vmem>>
        %dma_wait3A_558 = tpu.memref_squeeze %dma_wait3A_557 : memref<1x400xi32, #tpu.memory_space<vmem>> -> memref<400xi32, #tpu.memory_space<vmem>>
        %dma_wait3A_559 = tpu.memref_slice %arg2[%add3A_550] : memref<819200xi32, #tpu.memory_space<hbm>> -> memref<400xi32, #tpu.memory_space<hbm>>
        tpu.wait_dma2 semaphore(%arg21 : memref<!tpu.dma_semaphore, #tpu.memory_space<semaphore_mem>>) src(%dma_wait3A_559 : memref<400xi32, #tpu.memory_space<hbm>>) dst(%dma_wait3A_558 : memref<400xi32, #tpu.memory_space<vmem>>)
        %dma_wait3A_560 = arith.constant 0 : i32
        %dma_wait3A_561 = arith.constant 0 : i32
        %dma_wait3A_562 = arith.constant 0 : i32
        %dma_wait3A_563 = tpu.memref_slice %arg7[%dma_wait3A_560, %dma_wait3A_561, %dma_wait3A_562] : memref<4x400x64xf32, #tpu.memory_space<vmem>> -> memref<1x400x64xf32, #tpu.memory_space<vmem>>
        %dma_wait3A_564 = tpu.memref_squeeze %dma_wait3A_563 : memref<1x400x64xf32, #tpu.memory_space<vmem>> -> memref<400x64xf32, #tpu.memory_space<vmem>>
        %dma_wait3A_565 = arith.constant 0 : i32
        %dma_wait3A_566 = arith.constant 0 : i32
        %dma_wait3A_567 = tpu.memref_slice %arg7[%dma_wait3A_560, %dma_wait3A_565, %dma_wait3A_566] : memref<4x400x64xf32, #tpu.memory_space<vmem>> -> memref<1x400x64xf32, #tpu.memory_space<vmem>>
        %dma_wait3A_568 = tpu.memref_squeeze %dma_wait3A_567 : memref<1x400x64xf32, #tpu.memory_space<vmem>> -> memref<400x64xf32, #tpu.memory_space<vmem>>
        tpu.wait_dma2 semaphore(%arg17 : memref<!tpu.dma_semaphore, #tpu.memory_space<semaphore_mem>>) src(%arg8 : memref<400x64xf32, #tpu.memory_space<vmem_shared>>) dst(%dma_wait3A_568 : memref<400x64xf32, #tpu.memory_space<vmem>>)
        %dma_start3A_569 = arith.constant 0 : i32
        %dma_start3A_570 = arith.constant 0 : i32
        %dma_start3A_571 = arith.constant 0 : i32
        %dma_start3A_572 = arith.constant 0 : i32
        %dma_start3A_573 = tpu.memref_slice %arg7[%dma_start3A_570, %dma_start3A_571, %dma_start3A_572] : memref<4x400x64xf32, #tpu.memory_space<vmem>> -> memref<1x128x64xf32, #tpu.memory_space<vmem>>
        %dma_start3A_574 = tpu.memref_squeeze %dma_start3A_573 : memref<1x128x64xf32, #tpu.memory_space<vmem>> -> memref<128x64xf32, #tpu.memory_space<vmem>>
        %dma_start3A_575 = arith.constant 0 : i32
        %dma_start3A_576 = tpu.memref_slice %arg6[%dma_start3A_569, %dma_start3A_575] : memref<4x400xi32, #tpu.memory_space<vmem>> -> memref<1x128xi32, #tpu.memory_space<vmem>>
        %dma_start3A_577 = tpu.memref_squeeze %dma_start3A_576 : memref<1x128xi32, #tpu.memory_space<vmem>> -> memref<128xi32, #tpu.memory_space<vmem>>
        %dma_start3A_578 = arith.constant 0 : i32
        %dma_start3A_579 = arith.constant 0 : i32
        %dma_start3A_580 = tpu.memref_slice %arg3[%dma_start3A_578, %dma_start3A_579] : memref<1000000x64xf32, #tpu.memory_space<hbm>> -> memref<1000000x64xf32, #tpu.memory_space<hbm>>
        tpu.enqueue_indirect_dma source(%dma_start3A_580 : memref<1000000x64xf32, #tpu.memory_space<hbm>>) target(%dma_start3A_574 : memref<128x64xf32, #tpu.memory_space<vmem>>) offsets(%dma_start3A_577 : memref<128xi32, #tpu.memory_space<vmem>>) semaphore(%arg9 : memref<!tpu.dma_semaphore, #tpu.memory_space<semaphore_mem>>) {add = true}
        %dma_start3A_581 = arith.constant 0 : i32
        %dma_start3A_582 = arith.constant 0 : i32
        %dma_start3A_583 = arith.constant 128 : i32
        %dma_start3A_584 = arith.constant 0 : i32
        %dma_start3A_585 = tpu.memref_slice %arg7[%dma_start3A_582, %dma_start3A_583, %dma_start3A_584] : memref<4x400x64xf32, #tpu.memory_space<vmem>> -> memref<1x128x64xf32, #tpu.memory_space<vmem>>
        %dma_start3A_586 = tpu.memref_squeeze %dma_start3A_585 : memref<1x128x64xf32, #tpu.memory_space<vmem>> -> memref<128x64xf32, #tpu.memory_space<vmem>>
        %dma_start3A_587 = arith.constant 128 : i32
        %dma_start3A_588 = tpu.memref_slice %arg6[%dma_start3A_581, %dma_start3A_587] : memref<4x400xi32, #tpu.memory_space<vmem>> -> memref<1x128xi32, #tpu.memory_space<vmem>>
        %dma_start3A_589 = tpu.memref_squeeze %dma_start3A_588 : memref<1x128xi32, #tpu.memory_space<vmem>> -> memref<128xi32, #tpu.memory_space<vmem>>
        %dma_start3A_590 = arith.constant 0 : i32
        %dma_start3A_591 = arith.constant 0 : i32
        %dma_start3A_592 = tpu.memref_slice %arg3[%dma_start3A_590, %dma_start3A_591] : memref<1000000x64xf32, #tpu.memory_space<hbm>> -> memref<1000000x64xf32, #tpu.memory_space<hbm>>
        tpu.enqueue_indirect_dma source(%dma_start3A_592 : memref<1000000x64xf32, #tpu.memory_space<hbm>>) target(%dma_start3A_586 : memref<128x64xf32, #tpu.memory_space<vmem>>) offsets(%dma_start3A_589 : memref<128xi32, #tpu.memory_space<vmem>>) semaphore(%arg9 : memref<!tpu.dma_semaphore, #tpu.memory_space<semaphore_mem>>) {add = true}
        %dma_start3A_593 = arith.constant 0 : i32
        %dma_start3A_594 = arith.constant 0 : i32
        %dma_start3A_595 = arith.constant 256 : i32
        %dma_start3A_596 = arith.constant 0 : i32
        %dma_start3A_597 = tpu.memref_slice %arg7[%dma_start3A_594, %dma_start3A_595, %dma_start3A_596] : memref<4x400x64xf32, #tpu.memory_space<vmem>> -> memref<1x128x64xf32, #tpu.memory_space<vmem>>
        %dma_start3A_598 = tpu.memref_squeeze %dma_start3A_597 : memref<1x128x64xf32, #tpu.memory_space<vmem>> -> memref<128x64xf32, #tpu.memory_space<vmem>>
        %dma_start3A_599 = arith.constant 256 : i32
        %dma_start3A_600 = tpu.memref_slice %arg6[%dma_start3A_593, %dma_start3A_599] : memref<4x400xi32, #tpu.memory_space<vmem>> -> memref<1x128xi32, #tpu.memory_space<vmem>>
        %dma_start3A_601 = tpu.memref_squeeze %dma_start3A_600 : memref<1x128xi32, #tpu.memory_space<vmem>> -> memref<128xi32, #tpu.memory_space<vmem>>
        %dma_start3A_602 = arith.constant 0 : i32
        %dma_start3A_603 = arith.constant 0 : i32
        %dma_start3A_604 = tpu.memref_slice %arg3[%dma_start3A_602, %dma_start3A_603] : memref<1000000x64xf32, #tpu.memory_space<hbm>> -> memref<1000000x64xf32, #tpu.memory_space<hbm>>
        tpu.enqueue_indirect_dma source(%dma_start3A_604 : memref<1000000x64xf32, #tpu.memory_space<hbm>>) target(%dma_start3A_598 : memref<128x64xf32, #tpu.memory_space<vmem>>) offsets(%dma_start3A_601 : memref<128xi32, #tpu.memory_space<vmem>>) semaphore(%arg9 : memref<!tpu.dma_semaphore, #tpu.memory_space<semaphore_mem>>) {add = true}
        %dma_start3A_605 = arith.constant 0 : i32
        %dma_start3A_606 = arith.constant 0 : i32
        %dma_start3A_607 = arith.constant 384 : i32
        %dma_start3A_608 = arith.constant 0 : i32
        %dma_start3A_609 = tpu.memref_slice %arg7[%dma_start3A_606, %dma_start3A_607, %dma_start3A_608] : memref<4x400x64xf32, #tpu.memory_space<vmem>> -> memref<1x16x64xf32, #tpu.memory_space<vmem>>
        %dma_start3A_610 = tpu.memref_squeeze %dma_start3A_609 : memref<1x16x64xf32, #tpu.memory_space<vmem>> -> memref<16x64xf32, #tpu.memory_space<vmem>>
        %dma_start3A_611 = arith.constant 384 : i32
        %dma_start3A_612 = tpu.memref_slice %arg6[%dma_start3A_605, %dma_start3A_611] : memref<4x400xi32, #tpu.memory_space<vmem>> -> memref<1x16xi32, #tpu.memory_space<vmem>>
        %dma_start3A_613 = tpu.memref_squeeze %dma_start3A_612 : memref<1x16xi32, #tpu.memory_space<vmem>> -> memref<16xi32, #tpu.memory_space<vmem>>
        %dma_start3A_614 = arith.constant 0 : i32
        %dma_start3A_615 = arith.constant 0 : i32
        %dma_start3A_616 = tpu.memref_slice %arg3[%dma_start3A_614, %dma_start3A_615] : memref<1000000x64xf32, #tpu.memory_space<hbm>> -> memref<1000000x64xf32, #tpu.memory_space<hbm>>
        tpu.enqueue_indirect_dma source(%dma_start3A_616 : memref<1000000x64xf32, #tpu.memory_space<hbm>>) target(%dma_start3A_610 : memref<16x64xf32, #tpu.memory_space<vmem>>) offsets(%dma_start3A_613 : memref<16xi32, #tpu.memory_space<vmem>>) semaphore(%arg9 : memref<!tpu.dma_semaphore, #tpu.memory_space<semaphore_mem>>) {add = true}
      } else {
      }
      %dma_wait3A_482 = arith.constant 3 : i32
      %dma_wait3A_483 = arith.constant 3 : i32
      %dma_wait3A_484 = arith.constant 0 : i32
      %dma_wait3A_485 = arith.constant 0 : i32
      %dma_wait3A_486 = tpu.memref_slice %arg7[%dma_wait3A_483, %dma_wait3A_484, %dma_wait3A_485] : memref<4x400x64xf32, #tpu.memory_space<vmem>> -> memref<1x128x64xf32, #tpu.memory_space<vmem>>
      %dma_wait3A_487 = tpu.memref_squeeze %dma_wait3A_486 : memref<1x128x64xf32, #tpu.memory_space<vmem>> -> memref<128x64xf32, #tpu.memory_space<vmem>>
      %dma_wait3A_488 = arith.constant 0 : i32
      %dma_wait3A_489 = tpu.memref_slice %arg6[%dma_wait3A_482, %dma_wait3A_488] : memref<4x400xi32, #tpu.memory_space<vmem>> -> memref<1x128xi32, #tpu.memory_space<vmem>>
      %dma_wait3A_490 = tpu.memref_squeeze %dma_wait3A_489 : memref<1x128xi32, #tpu.memory_space<vmem>> -> memref<128xi32, #tpu.memory_space<vmem>>
      %dma_wait3A_491 = arith.constant 0 : i32
      %dma_wait3A_492 = arith.constant 0 : i32
      %dma_wait3A_493 = tpu.memref_slice %arg3[%dma_wait3A_491, %dma_wait3A_492] : memref<1000000x64xf32, #tpu.memory_space<hbm>> -> memref<1000000x64xf32, #tpu.memory_space<hbm>>
      tpu.wait_indirect_dma semaphore(%arg12 : memref<!tpu.dma_semaphore, #tpu.memory_space<semaphore_mem>>) src(%dma_wait3A_493 : memref<1000000x64xf32, #tpu.memory_space<hbm>>) dst(%dma_wait3A_487 : memref<128x64xf32, #tpu.memory_space<vmem>>)
      %dma_wait3A_494 = arith.constant 3 : i32
      %dma_wait3A_495 = arith.constant 3 : i32
      %dma_wait3A_496 = arith.constant 128 : i32
      %dma_wait3A_497 = arith.constant 0 : i32
      %dma_wait3A_498 = tpu.memref_slice %arg7[%dma_wait3A_495, %dma_wait3A_496, %dma_wait3A_497] : memref<4x400x64xf32, #tpu.memory_space<vmem>> -> memref<1x128x64xf32, #tpu.memory_space<vmem>>
      %dma_wait3A_499 = tpu.memref_squeeze %dma_wait3A_498 : memref<1x128x64xf32, #tpu.memory_space<vmem>> -> memref<128x64xf32, #tpu.memory_space<vmem>>
      %dma_wait3A_500 = arith.constant 128 : i32
      %dma_wait3A_501 = tpu.memref_slice %arg6[%dma_wait3A_494, %dma_wait3A_500] : memref<4x400xi32, #tpu.memory_space<vmem>> -> memref<1x128xi32, #tpu.memory_space<vmem>>
      %dma_wait3A_502 = tpu.memref_squeeze %dma_wait3A_501 : memref<1x128xi32, #tpu.memory_space<vmem>> -> memref<128xi32, #tpu.memory_space<vmem>>
      %dma_wait3A_503 = arith.constant 0 : i32
      %dma_wait3A_504 = arith.constant 0 : i32
      %dma_wait3A_505 = tpu.memref_slice %arg3[%dma_wait3A_503, %dma_wait3A_504] : memref<1000000x64xf32, #tpu.memory_space<hbm>> -> memref<1000000x64xf32, #tpu.memory_space<hbm>>
      tpu.wait_indirect_dma semaphore(%arg12 : memref<!tpu.dma_semaphore, #tpu.memory_space<semaphore_mem>>) src(%dma_wait3A_505 : memref<1000000x64xf32, #tpu.memory_space<hbm>>) dst(%dma_wait3A_499 : memref<128x64xf32, #tpu.memory_space<vmem>>)
      %dma_wait3A_506 = arith.constant 3 : i32
      %dma_wait3A_507 = arith.constant 3 : i32
      %dma_wait3A_508 = arith.constant 256 : i32
      %dma_wait3A_509 = arith.constant 0 : i32
      %dma_wait3A_510 = tpu.memref_slice %arg7[%dma_wait3A_507, %dma_wait3A_508, %dma_wait3A_509] : memref<4x400x64xf32, #tpu.memory_space<vmem>> -> memref<1x128x64xf32, #tpu.memory_space<vmem>>
      %dma_wait3A_511 = tpu.memref_squeeze %dma_wait3A_510 : memref<1x128x64xf32, #tpu.memory_space<vmem>> -> memref<128x64xf32, #tpu.memory_space<vmem>>
      %dma_wait3A_512 = arith.constant 256 : i32
      %dma_wait3A_513 = tpu.memref_slice %arg6[%dma_wait3A_506, %dma_wait3A_512] : memref<4x400xi32, #tpu.memory_space<vmem>> -> memref<1x128xi32, #tpu.memory_space<vmem>>
      %dma_wait3A_514 = tpu.memref_squeeze %dma_wait3A_513 : memref<1x128xi32, #tpu.memory_space<vmem>> -> memref<128xi32, #tpu.memory_space<vmem>>
      %dma_wait3A_515 = arith.constant 0 : i32
      %dma_wait3A_516 = arith.constant 0 : i32
      %dma_wait3A_517 = tpu.memref_slice %arg3[%dma_wait3A_515, %dma_wait3A_516] : memref<1000000x64xf32, #tpu.memory_space<hbm>> -> memref<1000000x64xf32, #tpu.memory_space<hbm>>
      tpu.wait_indirect_dma semaphore(%arg12 : memref<!tpu.dma_semaphore, #tpu.memory_space<semaphore_mem>>) src(%dma_wait3A_517 : memref<1000000x64xf32, #tpu.memory_space<hbm>>) dst(%dma_wait3A_511 : memref<128x64xf32, #tpu.memory_space<vmem>>)
      %dma_wait3A_518 = arith.constant 3 : i32
      %dma_wait3A_519 = arith.constant 3 : i32
      %dma_wait3A_520 = arith.constant 384 : i32
      %dma_wait3A_521 = arith.constant 0 : i32
      %dma_wait3A_522 = tpu.memref_slice %arg7[%dma_wait3A_519, %dma_wait3A_520, %dma_wait3A_521] : memref<4x400x64xf32, #tpu.memory_space<vmem>> -> memref<1x16x64xf32, #tpu.memory_space<vmem>>
      %dma_wait3A_523 = tpu.memref_squeeze %dma_wait3A_522 : memref<1x16x64xf32, #tpu.memory_space<vmem>> -> memref<16x64xf32, #tpu.memory_space<vmem>>
      %dma_wait3A_524 = arith.constant 384 : i32
      %dma_wait3A_525 = tpu.memref_slice %arg6[%dma_wait3A_518, %dma_wait3A_524] : memref<4x400xi32, #tpu.memory_space<vmem>> -> memref<1x16xi32, #tpu.memory_space<vmem>>
      %dma_wait3A_526 = tpu.memref_squeeze %dma_wait3A_525 : memref<1x16xi32, #tpu.memory_space<vmem>> -> memref<16xi32, #tpu.memory_space<vmem>>
      %dma_wait3A_527 = arith.constant 0 : i32
      %dma_wait3A_528 = arith.constant 0 : i32
      %dma_wait3A_529 = tpu.memref_slice %arg3[%dma_wait3A_527, %dma_wait3A_528] : memref<1000000x64xf32, #tpu.memory_space<hbm>> -> memref<1000000x64xf32, #tpu.memory_space<hbm>>
      tpu.wait_indirect_dma semaphore(%arg12 : memref<!tpu.dma_semaphore, #tpu.memory_space<semaphore_mem>>) src(%dma_wait3A_529 : memref<1000000x64xf32, #tpu.memory_space<hbm>>) dst(%dma_wait3A_523 : memref<16x64xf32, #tpu.memory_space<vmem>>)
      %mul3A_530 = arith.constant 400 : i32
      %mul3A_531 = arith.muli %add3A_460, %mul3A_530 : i32
      %add3A_532 = arith.addi %mul3A_2, %mul3A_531 : i32
      %dma_start3A_533 = arith.constant 3 : i32
      %dma_start3A_534 = arith.constant 0 : i32
      %dma_start3A_535 = arith.constant 0 : i32
      %dma_start3A_536 = tpu.memref_slice %arg7[%dma_start3A_533, %dma_start3A_534, %dma_start3A_535] : memref<4x400x64xf32, #tpu.memory_space<vmem>> -> memref<1x400x64xf32, #tpu.memory_space<vmem>>
      %dma_start3A_537 = tpu.memref_squeeze %dma_start3A_536 : memref<1x400x64xf32, #tpu.memory_space<vmem>> -> memref<400x64xf32, #tpu.memory_space<vmem>>
      %dma_start3A_538 = arith.constant 0 : i32
      %dma_start3A_539 = tpu.memref_slice %arg5[%add3A_532, %dma_start3A_538] : memref<819200x128xf32, #tpu.memory_space<hbm>> -> memref<400x64xf32, #tpu.memory_space<hbm>>
      %dma_start3A_540 = arith.constant 0 : i32
      %dma_start3A_541 = tpu.memref_slice %arg5[%add3A_532, %dma_start3A_540] : memref<819200x128xf32, #tpu.memory_space<hbm>> -> memref<400x64xf32, #tpu.memory_space<hbm>>
      %dma_start3A_542 = arith.constant 0 : i32
      %dma_start3A_543 = arith.constant 0 : i32
      %dma_start3A_544 = tpu.memref_slice %arg7[%dma_start3A_533, %dma_start3A_542, %dma_start3A_543] : memref<4x400x64xf32, #tpu.memory_space<vmem>> -> memref<1x400x64xf32, #tpu.memory_space<vmem>>
      %dma_start3A_545 = tpu.memref_squeeze %dma_start3A_544 : memref<1x400x64xf32, #tpu.memory_space<vmem>> -> memref<400x64xf32, #tpu.memory_space<vmem>>
      tpu.enqueue_dma source(%dma_start3A_545 : memref<400x64xf32, #tpu.memory_space<vmem>>) target(%dma_start3A_541 : memref<400x64xf32, #tpu.memory_space<hbm>>) target_semaphore(%arg16 : memref<!tpu.dma_semaphore, #tpu.memory_space<semaphore_mem>>)
    }
    %scan3A_125 = arith.constant 16 : i32
    %add3A_126 = arith.constant 24000 : i32
    %add3A_127 = arith.addi %mul3A_2, %add3A_126 : i32
    %dma_wait3A_128 = arith.constant 0 : i32
    %dma_wait3A_129 = arith.constant 0 : i32
    %dma_wait3A_130 = arith.constant 0 : i32
    %dma_wait3A_131 = tpu.memref_slice %arg7[%dma_wait3A_128, %dma_wait3A_129, %dma_wait3A_130] : memref<4x400x64xf32, #tpu.memory_space<vmem>> -> memref<1x400x64xf32, #tpu.memory_space<vmem>>
    %dma_wait3A_132 = tpu.memref_squeeze %dma_wait3A_131 : memref<1x400x64xf32, #tpu.memory_space<vmem>> -> memref<400x64xf32, #tpu.memory_space<vmem>>
    %dma_wait3A_133 = arith.constant 0 : i32
    %dma_wait3A_134 = tpu.memref_slice %arg5[%add3A_127, %dma_wait3A_133] : memref<819200x128xf32, #tpu.memory_space<hbm>> -> memref<400x64xf32, #tpu.memory_space<hbm>>
    %dma_wait3A_135 = arith.constant 0 : i32
    %dma_wait3A_136 = tpu.memref_slice %arg5[%add3A_127, %dma_wait3A_135] : memref<819200x128xf32, #tpu.memory_space<hbm>> -> memref<400x64xf32, #tpu.memory_space<hbm>>
    %dma_wait3A_137 = arith.constant 0 : i32
    %dma_wait3A_138 = arith.constant 0 : i32
    %dma_wait3A_139 = tpu.memref_slice %arg7[%dma_wait3A_128, %dma_wait3A_137, %dma_wait3A_138] : memref<4x400x64xf32, #tpu.memory_space<vmem>> -> memref<1x400x64xf32, #tpu.memory_space<vmem>>
    %dma_wait3A_140 = tpu.memref_squeeze %dma_wait3A_139 : memref<1x400x64xf32, #tpu.memory_space<vmem>> -> memref<400x64xf32, #tpu.memory_space<vmem>>
    tpu.wait_dma2 semaphore(%arg13 : memref<!tpu.dma_semaphore, #tpu.memory_space<semaphore_mem>>) src(%dma_wait3A_140 : memref<400x64xf32, #tpu.memory_space<vmem>>) dst(%dma_wait3A_136 : memref<400x64xf32, #tpu.memory_space<hbm>>)
    %add3A_141 = arith.constant 24400 : i32
    %add3A_142 = arith.addi %mul3A_2, %add3A_141 : i32
    %dma_wait3A_143 = arith.constant 1 : i32
    %dma_wait3A_144 = arith.constant 0 : i32
    %dma_wait3A_145 = arith.constant 0 : i32
    %dma_wait3A_146 = tpu.memref_slice %arg7[%dma_wait3A_143, %dma_wait3A_144, %dma_wait3A_145] : memref<4x400x64xf32, #tpu.memory_space<vmem>> -> memref<1x400x64xf32, #tpu.memory_space<vmem>>
    %dma_wait3A_147 = tpu.memref_squeeze %dma_wait3A_146 : memref<1x400x64xf32, #tpu.memory_space<vmem>> -> memref<400x64xf32, #tpu.memory_space<vmem>>
    %dma_wait3A_148 = arith.constant 0 : i32
    %dma_wait3A_149 = tpu.memref_slice %arg5[%add3A_142, %dma_wait3A_148] : memref<819200x128xf32, #tpu.memory_space<hbm>> -> memref<400x64xf32, #tpu.memory_space<hbm>>
    %dma_wait3A_150 = arith.constant 0 : i32
    %dma_wait3A_151 = tpu.memref_slice %arg5[%add3A_142, %dma_wait3A_150] : memref<819200x128xf32, #tpu.memory_space<hbm>> -> memref<400x64xf32, #tpu.memory_space<hbm>>
    %dma_wait3A_152 = arith.constant 0 : i32
    %dma_wait3A_153 = arith.constant 0 : i32
    %dma_wait3A_154 = tpu.memref_slice %arg7[%dma_wait3A_143, %dma_wait3A_152, %dma_wait3A_153] : memref<4x400x64xf32, #tpu.memory_space<vmem>> -> memref<1x400x64xf32, #tpu.memory_space<vmem>>
    %dma_wait3A_155 = tpu.memref_squeeze %dma_wait3A_154 : memref<1x400x64xf32, #tpu.memory_space<vmem>> -> memref<400x64xf32, #tpu.memory_space<vmem>>
    tpu.wait_dma2 semaphore(%arg14 : memref<!tpu.dma_semaphore, #tpu.memory_space<semaphore_mem>>) src(%dma_wait3A_155 : memref<400x64xf32, #tpu.memory_space<vmem>>) dst(%dma_wait3A_151 : memref<400x64xf32, #tpu.memory_space<hbm>>)
    %add3A_156 = arith.constant 24800 : i32
    %add3A_157 = arith.addi %mul3A_2, %add3A_156 : i32
    %dma_wait3A_158 = arith.constant 2 : i32
    %dma_wait3A_159 = arith.constant 0 : i32
    %dma_wait3A_160 = arith.constant 0 : i32
    %dma_wait3A_161 = tpu.memref_slice %arg7[%dma_wait3A_158, %dma_wait3A_159, %dma_wait3A_160] : memref<4x400x64xf32, #tpu.memory_space<vmem>> -> memref<1x400x64xf32, #tpu.memory_space<vmem>>
    %dma_wait3A_162 = tpu.memref_squeeze %dma_wait3A_161 : memref<1x400x64xf32, #tpu.memory_space<vmem>> -> memref<400x64xf32, #tpu.memory_space<vmem>>
    %dma_wait3A_163 = arith.constant 0 : i32
    %dma_wait3A_164 = tpu.memref_slice %arg5[%add3A_157, %dma_wait3A_163] : memref<819200x128xf32, #tpu.memory_space<hbm>> -> memref<400x64xf32, #tpu.memory_space<hbm>>
    %dma_wait3A_165 = arith.constant 0 : i32
    %dma_wait3A_166 = tpu.memref_slice %arg5[%add3A_157, %dma_wait3A_165] : memref<819200x128xf32, #tpu.memory_space<hbm>> -> memref<400x64xf32, #tpu.memory_space<hbm>>
    %dma_wait3A_167 = arith.constant 0 : i32
    %dma_wait3A_168 = arith.constant 0 : i32
    %dma_wait3A_169 = tpu.memref_slice %arg7[%dma_wait3A_158, %dma_wait3A_167, %dma_wait3A_168] : memref<4x400x64xf32, #tpu.memory_space<vmem>> -> memref<1x400x64xf32, #tpu.memory_space<vmem>>
    %dma_wait3A_170 = tpu.memref_squeeze %dma_wait3A_169 : memref<1x400x64xf32, #tpu.memory_space<vmem>> -> memref<400x64xf32, #tpu.memory_space<vmem>>
    tpu.wait_dma2 semaphore(%arg15 : memref<!tpu.dma_semaphore, #tpu.memory_space<semaphore_mem>>) src(%dma_wait3A_170 : memref<400x64xf32, #tpu.memory_space<vmem>>) dst(%dma_wait3A_166 : memref<400x64xf32, #tpu.memory_space<hbm>>)
    %add3A_171 = arith.constant 25200 : i32
    %add3A_172 = arith.addi %mul3A_2, %add3A_171 : i32
    %dma_wait3A_173 = arith.constant 3 : i32
    %dma_wait3A_174 = arith.constant 0 : i32
    %dma_wait3A_175 = arith.constant 0 : i32
    %dma_wait3A_176 = tpu.memref_slice %arg7[%dma_wait3A_173, %dma_wait3A_174, %dma_wait3A_175] : memref<4x400x64xf32, #tpu.memory_space<vmem>> -> memref<1x400x64xf32, #tpu.memory_space<vmem>>
    %dma_wait3A_177 = tpu.memref_squeeze %dma_wait3A_176 : memref<1x400x64xf32, #tpu.memory_space<vmem>> -> memref<400x64xf32, #tpu.memory_space<vmem>>
    %dma_wait3A_178 = arith.constant 0 : i32
    %dma_wait3A_179 = tpu.memref_slice %arg5[%add3A_172, %dma_wait3A_178] : memref<819200x128xf32, #tpu.memory_space<hbm>> -> memref<400x64xf32, #tpu.memory_space<hbm>>
    %dma_wait3A_180 = arith.constant 0 : i32
    %dma_wait3A_181 = tpu.memref_slice %arg5[%add3A_172, %dma_wait3A_180] : memref<819200x128xf32, #tpu.memory_space<hbm>> -> memref<400x64xf32, #tpu.memory_space<hbm>>
    %dma_wait3A_182 = arith.constant 0 : i32
    %dma_wait3A_183 = arith.constant 0 : i32
    %dma_wait3A_184 = tpu.memref_slice %arg7[%dma_wait3A_173, %dma_wait3A_182, %dma_wait3A_183] : memref<4x400x64xf32, #tpu.memory_space<vmem>> -> memref<1x400x64xf32, #tpu.memory_space<vmem>>
    %dma_wait3A_185 = tpu.memref_squeeze %dma_wait3A_184 : memref<1x400x64xf32, #tpu.memory_space<vmem>> -> memref<400x64xf32, #tpu.memory_space<vmem>>
    tpu.wait_dma2 semaphore(%arg16 : memref<!tpu.dma_semaphore, #tpu.memory_space<semaphore_mem>>) src(%dma_wait3A_185 : memref<400x64xf32, #tpu.memory_space<vmem>>) dst(%dma_wait3A_181 : memref<400x64xf32, #tpu.memory_space<hbm>>)
    return
  }
}

</mosaic_0001>

<sc_bundles>
// kernel: kernel.3.cloned.1.call-start
scs
__scs_entry_jumppad:
0x0: {  	(pc) =	sbr.rel $0x88, $3  }
0x1: {  	(tag) =	ssettag $0x0;
	lr =	simm.s32 $0x1  }
0x2: {  	[smem:$0x3F9E] =	sst lr;
	_ =	strace $0xD0000000  }
0x3: {  	_ = 	snop  }
0x4: {  	_ = 	snop  }
0x5: {  	_ = 	snop  }
0x6: {  	_ = 	snop  }
0x7: {  	_ = 	snop  }
__scs_overlays_trampoline_lowered:
0x8: {  	[smem:$0x3FAD] =	sst s0  }
0x9: {  	[smem:$0x3FAE] =	sst s1  }
0xa: {  	[smem:$0x3FAF] =	sst s2  }
0xb: {  	[smem:$0x3FB0] =	sst s3  }
0xc: {  	[smem:$0x3FB1] =	sst s4  }
0xd: {  	[smem:$0x3FB2] =	sst s5  }
0xe: {  	[smem:$0x3FB3] =	sst s6  }
0xf: {  	[smem:$0x3FB4] =	sst s7  }
0x10: {  	[smem:$0x3FB5] =	sst s8  }
0x11: {  	[smem:$0x3FB6] =	sst s9;
	s0 =	simm.s32 @!p0 $0x0  }
0x12: {  	s1 =	sld [smem:$0x3F9C];
	s0 =	simm.s32 @p0 $0x1  }
0x13: {  	[smem:$0x3FB7] =	sst s0;
	s0 =	simm.s32 @!p1 $0x0  }
0x14: {  	s2 =	sld [smem:$0x3F9B];
	s0 =	simm.s32 @p1 $0x1  }
0x15: {  	[smem:$0x3FB8] =	sst s0;
	s0 =	simm.s32 @!p2 $0x0  }
0x16: {  	s3 =	sld [smem:$0x3FDB];
	s0 =	simm.s32 @p2 $0x1  }
0x17: {  	s4 =	simm.s32 $0x1BF5;
	[smem:$0x3FBA] =	sst s0  }
0x18: {  	s0 =	sld [smem:$0x3F9D];
	_ =	swait.ge [sflag:s4], $0x0  }
0x19: {  	s7 =	sld [smem:$0x3F9E]  }
0x1a: {  	s8 =	sadd.s32 $0xFFFFE003, lr  }
0x1b: {  	s9 =	sadd.s32 $0xFFFFFEF7, lr;
	s5 =	simm.s32 $0xFFFFFFFF;
	p2 =	slt.u32 s8, $0xFFFFF086  }
0x1c: {  	p1 =	slt.u32 s9, $0xF7A;
	s5 =	simm.s32 @!p2 $0x0  }
0x1d: {  	s5 =	simm.s32 @p1 $0x1;
	p0 =	seq.s32 s7, s2  }
0x1e: {  	s7 =	smul.u32 @!p0 $0xF7A, s2;
	p2 =	seq.s32 @!p0 s5, $0x0  }
0x1f: {  	s9 =	smul.u32 $0xF7A, s1;
	s8 =	simm.s32 @!p0 $0x1BF5;
	p2 =	por !p2, p0  }
0x20: {  	[sflag:s8] =	ssyncset.s32 @!p0 $0xFFFFF086;
	s6 =	sadd.s32 @!p0 s3, s7;
	s7 =	simm.s32 @!p0 $0x108  }
0x21: {  	s3 =	sadd.s32 s3, s9;
	s6 =	sadd.s32 @!p0 $0x88, s6;
	s7 =	simm.s32 @p2 $0x1082  }
0x22: {  	[simem:s7], [sflag:s8] =	dma.local @!p0 [hbm:s6], $0xF7A  }
0x23: {  	s9 =	sor.u32 $0xD0000000, s2;
	s6 =	simm.s32 $0x108;
	_ =	swait.ge @!p0 [sflag:s8], $0x0  }
0x24: {  	s3 =	sadd.s32 $0x88, s3;
	s6 =	simm.s32 @!p1 $0x1082;
	[sflag:s4] =	ssyncset.s32 $0xFFFFF086  }
0x25: {  	[simem:s6], [sflag:s4] =	dma.local [hbm:s3], $0xF7A  }
0x26: {  	[smem:$0x3F9E] =	sst s1;
	(tag) =	ssettag s2;
	_ =	strace s9  }
0x27: {  	s1 =	sld [smem:$0x3FAE]  }
0x28: {  	s2 =	sld [smem:$0x3FAF]  }
0x29: {  	s4 =	sld [smem:$0x3FB1]  }
0x2a: {  	p0 =	seq.s32 s5, $0x0;
	s5 =	sld [smem:$0x3FB2]  }
0x2b: {  	s6 =	sld [smem:$0x3FB3]  }
0x2c: {  	s7 =	sld [smem:$0x3FB4]  }
0x2d: {  	s3 =	simm.s32 $0x108;
	s8 =	sld [smem:$0x3FB5]  }
0x2e: {  	s3 =	simm.s32 @!p0 $0x1082;
	s9 =	sld [smem:$0x3FB6]  }
0x2f: {  	lr =	sadd.s32 s0, s3;
	s0 =	sld [smem:$0x3FAD]  }
0x30: {  	s3 =	sld [smem:$0x3FB0]  }
0x31: {  	[smem:$0x3FB9] =	sst s10  }
0x32: {  	s10 =	sld [smem:$0x3FB7];
	_ =	sdelay $0x3  }
0x33: {  	p0 =	seq.s32 s10, $0x1;
	s10 =	sld [smem:$0x3FB9];
	_ =	sdelay $0x3  }
0x34: {  	[smem:$0x3FB9] =	sst s10  }
0x35: {  	s10 =	sld [smem:$0x3FB8];
	_ =	sdelay $0x3  }
0x36: {  	p1 =	seq.s32 s10, $0x1;
	s10 =	sld [smem:$0x3FB9];
	_ =	sdelay $0x3  }
0x37: {  	[smem:$0x3FB9] =	sst s10  }
0x38: {  	s10 =	sld [smem:$0x3FBA]  }
0x39: {  	_ = 	snop;
	(pc) =	sbr.ind lr, $3  }
0x3a: {  	_ = 	snop  }
0x3b: {  	_ = 	snop  }
0x3c: {  	p2 =	seq.s32 s10, $0x1;
	s10 =	sld [smem:$0x3FB9]  }
0x3d: {  	_ =	shalt  }
0x3e: {  	_ =	shalt  }
0x3f: {  	_ =	shalt  }
0x40: {  	_ =	shalt  }
0x41: {  	_ =	shalt  }
0x42: {  	_ =	shalt  }
0x43: {  	_ =	shalt  }
0x44: {  	_ =	shalt  }
0x45: {  	_ =	shalt  }
0x46: {  	_ =	shalt  }
0x47: {  	_ =	shalt  }
0x48: {  	_ =	shalt  }
0x49: {  	_ =	shalt  }
0x4a: {  	_ =	shalt  }
0x4b: {  	_ =	shalt  }
0x4c: {  	_ =	shalt  }
0x4d: {  	_ =	shalt  }
0x4e: {  	_ =	shalt  }
0x4f: {  	_ =	shalt  }
0x50: {  	_ =	shalt  }
0x51: {  	_ =	shalt  }
0x52: {  	_ =	shalt  }
0x53: {  	_ =	shalt  }
0x54: {  	_ =	shalt  }
0x55: {  	_ =	shalt  }
0x56: {  	_ =	shalt  }
0x57: {  	_ =	shalt  }
0x58: {  	_ =	shalt  }
0x59: {  	_ =	shalt  }
0x5a: {  	_ =	shalt  }
0x5b: {  	_ =	shalt  }
0x5c: {  	_ =	shalt  }
0x5d: {  	_ =	shalt  }
0x5e: {  	_ =	shalt  }
0x5f: {  	_ =	shalt  }
0x60: {  	_ =	shalt  }
0x61: {  	_ =	shalt  }
0x62: {  	_ =	shalt  }
0x63: {  	_ =	shalt  }
0x64: {  	_ =	shalt  }
0x65: {  	_ =	shalt  }
0x66: {  	_ =	shalt  }
0x67: {  	_ =	shalt  }
0x68: {  	_ =	shalt  }
0x69: {  	_ =	shalt  }
0x6a: {  	_ =	shalt  }
0x6b: {  	_ =	shalt  }
0x6c: {  	_ =	shalt  }
0x6d: {  	_ =	shalt  }
0x6e: {  	_ =	shalt  }
0x6f: {  	_ =	shalt  }
0x70: {  	_ =	shalt  }
0x71: {  	_ =	shalt  }
0x72: {  	_ =	shalt  }
0x73: {  	_ =	shalt  }
0x74: {  	_ =	shalt  }
0x75: {  	_ =	shalt  }
0x76: {  	_ =	shalt  }
0x77: {  	_ =	shalt  }
0x78: {  	_ =	shalt  }
0x79: {  	_ =	shalt  }
0x7a: {  	_ =	shalt  }
0x7b: {  	_ =	shalt  }
0x7c: {  	_ =	shalt  }
0x7d: {  	_ =	shalt  }
0x7e: {  	_ =	shalt  }
0x7f: {  	_ =	shalt  }
0x80: {  	_ =	shalt  }
0x81: {  	_ =	shalt  }
0x82: {  	_ =	shalt  }
0x83: {  	_ =	shalt  }
0x84: {  	_ =	shalt  }
0x85: {  	_ =	shalt  }
0x86: {  	_ =	shalt  }
0x87: {  	_ =	shalt  }
.Lfunc_end0:
.L_simem_size_0:
called_computation.1_lowered:
.L_overlay_start_0:
0x88: {  	s2 =	sld [smem:$0x3FD9]  }
0x89: {  	s3 =	sld [smem:$0x3FFE];
	_ =	sdelay $0x1  }
0x8a: {  	s1 =	srdreg.scid  }
0x8b: {  	s0 =	sand.u32 $0x1, s1  }
0x8c: {  	s17 =	sshll.u32 s0, $0xA;
	s2 =	sadd.s32 s3, s2  }
0x8d: {  	s2 =	sadd.s32 s2, s17  }
0x8e: {  	[smem:$0x3FC5] =	sst s2  }
0x8f: {  	_ = 	snop  }
0x90: {  	s2 =	sld [smem:$0x3FD0];
	(tm) =	ssettm $0x1  }
0x91: {  	s18 =	sld [smem:$0x3FFB];
	_ =	sdelay $0x3  }
0x92: {  	_ =	strace s18  }
0x93: {  	s3 =	sld [smem:$0x3FFC];
	_ =	sdelay $0x3  }
0x94: {  	_ =	strace s3  }
0x95: {  	s3 =	sld [smem:$0x3FFD];
	_ =	sdelay $0x3  }
0x96: {  	_ =	strace s3  }
0x97: {  	_ =	strace $0x8FFFFFFF  }
0x98: {  	s19 =	sld [smem:$0x3FDB];
	_ =	sdelay $0x1  }
0x99: {  	s4 =	simm.s32 $_scs_section_size  }
0x9a: {  	s5 =	simm.s32 $_size__tile_overlayer_lowered;
	s6 =	simm.s32 $_tile_overlayer_lowered  }
0x9b: {  	s22 =	simm.s32 $0x1BFF;
	s21 =	sshll.u32 s6, $0x1;
	s3 =	sadd.s32 s4, s19  }
0x9c: {  	s7 =	simm.s32 $0x0;
	s20 =	sshll.u32 s5, $0x1;
	s5 =	sadd.s32 s21, s3  }
0x9d: {  	[timem:s7], [sflag:s22] =	dma.local [hbm:s5], s20  }
0x9e: {  	_ =	swait.ge [sflag:s22], s20  }
0x9f: {  	s4 =	ssub.s32 $0x0, s20;
	[sflag:s22] =	ssyncset.done $0x0  }
0xa0: {  	[sflag:s22] =	ssyncadd.s32 s4;
	_ =	sdelay $0x1  }
0xa1: {  	s23 =	simm.s32 $0x1B8B  }
0xa2: {  	_ =	swait.ge [sflag:s23], $0x1  }
0xa3: {  	[sflag:s23] =	ssyncset.done $0x0  }
0xa4: {  	s25 =	simm.s32 $0x1B8E;
	s24 =	sld [smem:$0x3FFE];
	[sflag:s23] =	ssyncadd.s32 $0xFFFFFFFF  }
0xa5: {  	s26 =	simm.s32 $execute0_lowered;
	[smem:$0x3FD2] =	sst s25  }
0xa6: {  	s5 =	sshll.u32 s26, $0x1;
	_ =	strace $0x80000046;
	[dreg:$0x1] =	wrdreg $0xFFFFFFFF  }
0xa7: {  	s28 =	simm.s32 $_size_execute0_lowered;
	s3 =	sadd.s32 s3, s5;
	[dreg:$0x0] =	wrdreg $0x0  }
0xa8: {  	s5 =	sshll.u32 s28, $0x1;
	[dreg:$0x2] =	wrdreg s3  }
0xa9: {  	[dreg:$0x3] =	wrdreg s5  }
0xaa: {  	[dreg:$0x4] =	wrdreg $0xC0  }
0xab: {  	_ =	task [dreg:s7], $0x5FFFF  }
0xac: {  	[dreg:$0x1] =	wrdreg $0xFFFFFFFF  }
0xad: {  	[dreg:$0x0] =	wrdreg $0x60  }
0xae: {  	[dreg:$0x2] =	wrdreg s2  }
0xaf: {  	[dreg:$0x3] =	wrdreg s24  }
0xb0: {  	[dreg:$0x4] =	wrdreg $0x196400  }
0xb1: {  	[dreg:$0x5] =	wrdreg $0x9  }
0xb2: {  	_ =	task.clear_ibuf [dreg:s7], $0x6FFFF;
	_ =	strace $0x90000046  }
0xb3: {  	s29 =	simm.s32 $0x9;
	_ =	strace $0x80000048  }
0xb4: {  	_ =	swait.ge [sflag:s29], $0x1  }
0xb5: {  	[sflag:s29] =	ssyncadd.s32 $0xFFFFFFFF  }
0xb6: {  	_ =	strace $0x90000048  }
0xb7: {  	_ =	sfence  }
0xb8: {  	s30 =	sld [smem:$0x0];
	_ =	sdelay $0x2  }
0xb9: {  	s31 =	sshll.u32 s1, $0xD;
	s1 =	sshrl.u32 s1, $0x2  }
0xba: {  	s3 =	sand.u32 $0x4000, s31;
	s1 =	sadd.s32 s1, s30  }
0xbb: {  	s0 =	sor.u32 s3, s0;
	s1 =	sshll.u32 s1, $0x11  }
0xbc: {  	s0 =	sor.u32 s1, s0  }
0xbd: {  	s0 =	sadd.s32 $0x8F2B, s0  }
0xbe: {  	[sflag:s0] =	ssyncadd.remote.s32 $0x1  }
0xbf: {  	_ =	sfence.sel $0xFFFF  }
0xc0: {  	[dreg:$0x0] =	wrdreg $0xFFFFFFFF;
	(pc) =	sbr.abs _section_cstart, $3  }
0xc1: {  	[dreg:$0x1] =	wrdreg $0xFFFFFFFF  }
0xc2: {  	_ =	task.clear_ibuf [dreg:s7], $0x2FFFF;
	_ =	strace $0x9FFFFFFF  }
0xc3: {  	(tm) =	ssettm $0x7FFFFFFF  }
tec
execute0_lowered:
.L_overlay_start_1:
0x0: {  	(tag) =	ssettag $0x1  }
0x1: {  	s9 =	rddreg [dreg:$0x0]  }
0x2: {  	s0 =	rddreg [dreg:$0x1]  }
0x3: {  	s2 =	rddreg [dreg:$0x2]  }
0x4: {  	s1 =	srdreg.scid;
	s3 =	stileid.u32  }
0x5: {  	s5 =	simm.s32 $0x0;
	s31 =	simm.s32 $0x6A40;
	s28 =	simm.s32 $0xA  }
0x6: {  	s12 =	simm.s32 $0x1;
	s30 =	simm.s32 $0xC;
	s1 =	sand.u32 $0x1, s1  }
0x7: {  	s4 =	sshll.u32 s3, $0x1;
	[smem:$0x7FF] =	sst s5;
	s8 =	smul.u32 $0xC800, s3  }
0x8: {  	s6 =	sadd.s32 $0xC00, s0;
	s16 =	sadd.s32 $0x3200, s2;
	s18 =	smul.u32 $0xC8000, s3  }
0x9: {  	p0 =	sne.s32 s3, $0x0;
	s3 =	simm.s32 $0x8;
	s13 =	sor.u32 s1, s4  }
0xa: {  	_ =	strace $0x80000047;
	s4 =	sadd.s32 $0xF43000, s0;
	[dreg:$0x4] =	wrdreg s6  }
0xb: {  	s0 =	sadd.s32 $0x1400, s0;
	s14 =	ssub.s32 $0x2, s1;
	s15 =	smul.u32 $0x6400, s1  }
0xc: {  	[dreg:$0x6] =	wrdreg s16;
	s1 =	smul.u32 $0x64000, s1;
	s16 =	simm.s32 $0xF  }
0xd: {  	s5 =	smul.u32 $0x6400, s13;
	s7 =	sshrl.u32 s14, $0x1;
	s19 =	sadd.s32 s18, s0  }
0xe: {  	s18 =	simm.s32 $0xB;
	s6 =	ssub.s32 s14, s7;
	s1 =	sadd.s32 s1, s19  }
0xf: {  	s14 =	simm.s32 $0x13240;
	s7 =	simm.s32 $0x0;
	s5 =	sshrl.u32 s5, $0x3  }
0x10: {  	s6 =	smax.u32 s6, $0x1;
	[dreg:$0xe] =	wrdreg s1;
	s10 =	sadd.s32 s9, s5  }
0x11: {  	s5 =	sadd.s32 s15, s8;
	[dreg:$0x9] =	wrdreg s6;
	s17 =	sadd.s32 $0x32, s10  }
0x12: {  	[dreg:$0x5] =	wrdreg s10;
	s10 =	sadd.s32 $0x64, s10;
	s20 =	sshll.u32 s5, $0x4  }
0x13: {  	s22 =	sadd.s32 $0x7D0, s5;
	s23 =	sadd.s32 $0x640, s5;
	[dreg:$0x7] =	wrdreg s17  }
0x14: {  	s24 =	sadd.s32 $0x960, s5;
	s5 =	sadd.s32 $0x4B0, s5;
	[dreg:$0x8] =	wrdreg s10  }
0x15: {  	s21 =	sadd.s32 s20, s0;
	[dreg:$0xa] =	wrdreg s23;
	s6 =	sshrl.u32 s22, $0x3  }
0x16: {  	s25 =	sshrl.u32 s24, $0x3;
	s26 =	sshll.u32 s5, $0x4;
	s29 =	sshrl.u32 s5, $0x3  }
0x17: {  	s22 =	simm.s32 $0x80;
	s23 =	simm.s32 $0x4B0;
	s24 =	simm.s32 $0xCE40  }
0x18: {  	s5 =	simm.s32 $0x2;
	s13 =	sadd.s32 $0x1900, s21;
	s6 =	sadd.s32 s6, s9  }
0x19: {  	s15 =	sadd.s32 $0x3200, s21;
	s1 =	sadd.s32 s25, s9;
	s17 =	sadd.s32 s26, s0  }
0x1a: {  	s0 =	sadd.s32 s29, s9;
	s26 =	simm.s32 $0x10;
	[dreg:$0xb] =	wrdreg s6  }
0x1b: {  	s25 =	simm.s32 $0xE;
	s21 =	simm.s32 $0x3;
	[dreg:$0xc] =	wrdreg s1  }
0x1c: {  	[dreg:$0xd] =	wrdreg s0;
	s6 =	simm.s32 $0x40;
	s1 =	simm.s32 $0x4  }
.LBB2_1:
0x1d: {  	[dreg:$0xf] =	wrdreg s7  }
0x1e: {  	s0 =	simm.s32 @!p0 $0x0;
	s7 =	simm.s32 @!p0 $0x640;
	s8 =	rddreg [dreg:$0x4]  }
0x1f: {  	[tilespmem:s7], [sflag:$0x11] =	stream.linear.gather @!p0 [hbm4b:s8+s0], $0x3200, $0x38;
	[tilespmem:$0x19C80] =	vst v63  }
0x20: {  	s0 =	simm.s32 @!p0 $0x11  }
0x21: {  	_ =	swait.ge @!p0 [sflag:s0], $0x3200  }
0x22: {  	[sflag:s0] =	ssyncset.done @!p0 $0x0  }
0x23: {  	[sflag:s0] =	ssyncadd.s32 @!p0 $0xFFFFCE00  }
0x24: {  	[spmem:s2] =	stream.linear.scatter @!p0 [tilespmem:s7], [sflag:$0x11], $0x3200, $0x38;
	[tilespmem:$0x19C80] =	vst v63  }
0x25: {  	_ =	swait.ge @!p0 [sflag:s0], $0x3200  }
0x26: {  	[sflag:s0] =	ssyncset.done @!p0 $0x0  }
0x27: {  	s8 =	rddreg [dreg:$0x6];
	[sflag:s0] =	ssyncadd.s32 @!p0 $0xFFFFCE00  }
0x28: {  	[spmem:s8] =	stream.linear.scatter @!p0 [tilespmem:s7], [sflag:$0x11], $0x3200, $0x38;
	[tilespmem:$0x19C80] =	vst v63  }
0x29: {  	_ =	swait.ge @!p0 [sflag:s0], $0x3200  }
0x2a: {  	[sflag:s0] =	ssyncset.done @!p0 $0x0  }
0x2b: {  	[sflag:s0] =	ssyncadd.s32 @!p0 $0xFFFFCE00  }
0x2c: {  	[bflag:$0x0] =	sbarrier.arrive $0xFFFF  }
0x2d: {  	s0 =	simm.s32 $0x0;
	s19 =	rddreg [dreg:$0x5]  }
0x2e: {  	[tilespmem:s0], [sflag:$0xD] =	stream.linear.gather [hbm4b:s19+s0], $0x190, $0x38;
	[tilespmem:$0x19C80] =	vst v63  }
0x2f: {  	s20 =	simm.s32 $0x640;
	s9 =	simm.s32 $0xD  }
0x30: {  	[tilespmem:s20], [sflag:$0x9] =	stream.linear.gather [spmem:s2], $0x6400, $0x38;
	[tilespmem:$0x19C80] =	vst v63  }
0x31: {  	_ =	swait.ge [sflag:s9], $0x190  }
0x32: {  	[sflag:s9] =	ssyncset.done $0x0  }
0x33: {  	s10 =	simm.s32 $0x9;
	[sflag:s9] =	ssyncadd.s32 $0xFFFFFE70  }
0x34: {  	_ =	swait.ge [sflag:s10], $0x6400  }
0x35: {  	[sflag:s10] =	ssyncset.done $0x0  }
0x36: {  	[sflag:s10] =	ssyncadd.s32 $0xFFFF9C00  }
0x37: {  	[tilespmem:s20], [sflag:$0x1] =	stream.indirect.gather.add.f32 [hbm:s4], $0x40, s0, s22, $0xb8;
	[tilespmem:$0x19C80] =	vst v63  }
0x38: {  	s11 =	simm.s32 $0x2640  }
0x39: {  	[tilespmem:s11], [sflag:$0x1] =	stream.indirect.gather.add.f32 [hbm:s4], $0x40, s22, s22, $0xb8;
	[tilespmem:$0x19C80] =	vst v63  }
0x3a: {  	s19 =	simm.s32 $0x100;
	s29 =	rddreg [dreg:$0xc];
	s20 =	simm.s32 $0x4640  }
0x3b: {  	[tilespmem:s20], [sflag:$0x1] =	stream.indirect.gather.add.f32 [hbm:s4], $0x40, s19, s22, $0xb8;
	[tilespmem:$0x19C80] =	vst v63  }
0x3c: {  	s8 =	simm.s32 $0x180;
	s9 =	simm.s32 $0x6640;
	s7 =	rddreg [dreg:$0xb]  }
0x3d: {  	[tilespmem:s9], [sflag:$0x1] =	stream.indirect.gather.add.f32 [hbm:s4], $0x40, s8, s26, $0xb8;
	[tilespmem:$0x19C80] =	vst v63  }
0x3e: {  	s10 =	rddreg [dreg:$0x7];
	s11 =	simm.s32 $0x190  }
0x3f: {  	[tilespmem:s11], [sflag:$0xE] =	stream.linear.gather [hbm4b:s10+s0], $0x190, $0x38;
	[tilespmem:$0x19C80] =	vst v63  }
0x40: {  	s19 =	rddreg [dreg:$0x8]  }
0x41: {  	[tilespmem:s31], [sflag:$0xA] =	stream.linear.gather [spmem:s2], $0x6400, $0x38;
	[tilespmem:$0x19C80] =	vst v63  }
0x42: {  	s20 =	simm.s32 $0x320;
	s8 =	rddreg [dreg:$0xa]  }
0x43: {  	[tilespmem:s20], [sflag:$0xF] =	stream.linear.gather [hbm4b:s19+s0], $0x190, $0x38;
	[tilespmem:$0x19C80] =	vst v63  }
0x44: {  	s19 =	rddreg [dreg:$0xd];
	s0 =	simm.s32 $0x0  }
.LBB2_2:
0x45: {  	s9 =	simm.s32 $0x0;
	p1 =	seq.s32 s0, $0x0  }
0x46: {  	[tilespmem:s23], [sflag:$0x10] =	stream.linear.gather [hbm4b:s19+s9], $0x190, $0x38;
	[tilespmem:$0x19C80] =	vst v63  }
0x47: {  	s9 =	simm.s32 @!p1 $0x7  }
0x48: {  	_ =	swait.ge @!p1 [sflag:s9], $0x6400  }
0x49: {  	[sflag:s9] =	ssyncset.done @!p1 $0x0  }
0x4a: {  	[sflag:s9] =	ssyncadd.s32 @!p1 $0xFFFF9C00  }
0x4b: {  	[tilespmem:s24], [sflag:$0xB] =	stream.linear.gather [spmem:s2], $0x6400, $0x38;
	[tilespmem:$0x19C80] =	vst v63  }
0x4c: {  	_ =	swait.ge [sflag:s25], $0x190  }
0x4d: {  	[sflag:s25] =	ssyncset.done $0x0  }
0x4e: {  	[sflag:s25] =	ssyncadd.s32 $0xFFFFFE70  }
0x4f: {  	_ =	swait.ge [sflag:s28], $0x6400  }
0x50: {  	[sflag:s28] =	ssyncset.done $0x0  }
0x51: {  	s11 =	simm.s32 $0x190;
	[sflag:s28] =	ssyncadd.s32 $0xFFFF9C00  }
0x52: {  	[tilespmem:s31], [sflag:$0x2] =	stream.indirect.gather.add.f32 [hbm:s4], $0x40, s11, s22, $0xb8;
	[tilespmem:$0x19C80] =	vst v63  }
0x53: {  	s20 =	simm.s32 $0x210;
	s10 =	simm.s32 $0x8A40  }
0x54: {  	[tilespmem:s10], [sflag:$0x2] =	stream.indirect.gather.add.f32 [hbm:s4], $0x40, s20, s22, $0xb8;
	[tilespmem:$0x19C80] =	vst v63  }
0x55: {  	s11 =	simm.s32 $0x290;
	s20 =	simm.s32 $0xAA40  }
0x56: {  	[tilespmem:s20], [sflag:$0x2] =	stream.indirect.gather.add.f32 [hbm:s4], $0x40, s11, s22, $0xb8;
	[tilespmem:$0x19C80] =	vst v63  }
0x57: {  	s11 =	simm.s32 $0x310;
	s20 =	simm.s32 $0xCA40  }
0x58: {  	[tilespmem:s20], [sflag:$0x2] =	stream.indirect.gather.add.f32 [hbm:s4], $0x40, s11, s26, $0xb8;
	[tilespmem:$0x19C80] =	vst v63  }
0x59: {  	_ =	swait.ge [sflag:s12], $0x2000  }
0x5a: {  	[sflag:s12] =	ssyncset.done $0x0  }
0x5b: {  	[sflag:s12] =	ssyncadd.s32 $0xFFFFE000  }
0x5c: {  	_ =	swait.ge [sflag:s12], $0x2000  }
0x5d: {  	[sflag:s12] =	ssyncset.done $0x0  }
0x5e: {  	[sflag:s12] =	ssyncadd.s32 $0xFFFFE000  }
0x5f: {  	_ =	swait.ge [sflag:s12], $0x2000  }
0x60: {  	[sflag:s12] =	ssyncset.done $0x0  }
0x61: {  	[sflag:s12] =	ssyncadd.s32 $0xFFFFE000  }
0x62: {  	_ =	swait.ge [sflag:s12], $0x400  }
0x63: {  	p1 =	seq.s32 s0, $0x5DC00;
	[sflag:s12] =	ssyncset.done $0x0;
	s10 =	rddreg [dreg:$0xe]  }
0x64: {  	s11 =	simm.s32 $0x640;
	[sflag:s12] =	ssyncadd.s32 $0xFFFFFC00;
	s9 =	sadd.s32 s0, s10  }
0x65: {  	[hbm4b:s9+s6] =	stream.strided.scatter [tilespmem:s11], [sflag:$0x5], $0x6400, s22, s6, $0x38;
	[tilespmem:$0x19C80] =	vst v63  }
0x66: {  	p2 =	seq.s32 @!p1 s0, $0x0;
	s9 =	sshrl.u32 @!p1 s8, $0x3;
	s10 =	rddreg [dreg:$0x0]  }
0x67: {  	p2 =	por p1, !p2;
	s10 =	sadd.s32 @!p1 s10, s9;
	s9 =	simm.s32 @!p1 $0x0  }
0x68: {  	[tilespmem:s9], [sflag:$0xD] =	stream.linear.gather @!p1 [hbm4b:s10+s9], $0x190, $0x38;
	[tilespmem:$0x19C80] =	vst v63  }
0x69: {  	_ =	swait.ge @p2 [sflag:s3], $0x6400  }
0x6a: {  	[sflag:s3] =	ssyncset.done @p2 $0x0  }
0x6b: {  	[sflag:s3] =	ssyncadd.s32 @p2 $0xFFFF9C00  }
0x6c: {  	[tilespmem:s14], [sflag:$0xC] =	stream.linear.gather [spmem:s2], $0x6400, $0x38;
	[tilespmem:$0x19C80] =	vst v63  }
0x6d: {  	_ =	swait.ge [sflag:s16], $0x190  }
0x6e: {  	[sflag:s16] =	ssyncset.done $0x0  }
0x6f: {  	[sflag:s16] =	ssyncadd.s32 $0xFFFFFE70  }
0x70: {  	_ =	swait.ge [sflag:s18], $0x6400  }
0x71: {  	[sflag:s18] =	ssyncset.done $0x0  }
0x72: {  	s20 =	simm.s32 $0x320;
	[sflag:s18] =	ssyncadd.s32 $0xFFFF9C00  }
0x73: {  	[tilespmem:s24], [sflag:$0x3] =	stream.indirect.gather.add.f32 [hbm:s4], $0x40, s20, s22, $0xb8;
	[tilespmem:$0x19C80] =	vst v63  }
0x74: {  	s11 =	simm.s32 $0x3A0;
	s20 =	simm.s32 $0xEE40  }
0x75: {  	[tilespmem:s20], [sflag:$0x3] =	stream.indirect.gather.add.f32 [hbm:s4], $0x40, s11, s22, $0xb8;
	[tilespmem:$0x19C80] =	vst v63  }
0x76: {  	s20 =	simm.s32 $0x420;
	s11 =	simm.s32 $0x10E40  }
0x77: {  	[tilespmem:s11], [sflag:$0x3] =	stream.indirect.gather.add.f32 [hbm:s4], $0x40, s20, s22, $0xb8;
	[tilespmem:$0x19C80] =	vst v63  }
0x78: {  	s20 =	simm.s32 $0x4A0;
	s11 =	simm.s32 $0x12E40  }
0x79: {  	[tilespmem:s11], [sflag:$0x3] =	stream.indirect.gather.add.f32 [hbm:s4], $0x40, s20, s26, $0xb8;
	[tilespmem:$0x19C80] =	vst v63  }
0x7a: {  	_ =	swait.ge [sflag:s5], $0x2000  }
0x7b: {  	[sflag:s5] =	ssyncset.done $0x0  }
0x7c: {  	[sflag:s5] =	ssyncadd.s32 $0xFFFFE000  }
0x7d: {  	_ =	swait.ge [sflag:s5], $0x2000  }
0x7e: {  	[sflag:s5] =	ssyncset.done $0x0  }
0x7f: {  	[sflag:s5] =	ssyncadd.s32 $0xFFFFE000  }
0x80: {  	_ =	swait.ge [sflag:s5], $0x2000  }
0x81: {  	[sflag:s5] =	ssyncset.done $0x0  }
0x82: {  	[sflag:s5] =	ssyncadd.s32 $0xFFFFE000  }
0x83: {  	_ =	swait.ge [sflag:s5], $0x400  }
0x84: {  	[sflag:s5] =	ssyncset.done $0x0  }
0x85: {  	s20 =	sadd.s32 s0, s13;
	[sflag:s5] =	ssyncadd.s32 $0xFFFFFC00  }
0x86: {  	[hbm4b:s20+s6] =	stream.strided.scatter [tilespmem:s31], [sflag:$0x6], $0x6400, s22, s6, $0x38;
	[tilespmem:$0x19C80] =	vst v63  }
0x87: {  	s10 =	simm.s32 @!p1 $0x190  }
0x88: {  	[tilespmem:s10], [sflag:$0xE] =	stream.linear.gather @!p1 [hbm4b:s7+s9], $0x190, $0x38;
	[tilespmem:$0x19C80] =	vst v63  }
0x89: {  	s10 =	simm.s32 @!p1 $0x5  }
0x8a: {  	_ =	swait.ge @!p1 [sflag:s10], $0x6400  }
0x8b: {  	[sflag:s10] =	ssyncset.done @!p1 $0x0  }
0x8c: {  	[sflag:s10] =	ssyncadd.s32 @!p1 $0xFFFF9C00;
	s10 =	simm.s32 @!p1 $0x640  }
0x8d: {  	[tilespmem:s10], [sflag:$0x9] =	stream.linear.gather @!p1 [spmem:s2], $0x6400, $0x38;
	[tilespmem:$0x19C80] =	vst v63  }
0x8e: {  	_ =	swait.ge [sflag:s26], $0x190  }
0x8f: {  	[sflag:s26] =	ssyncset.done $0x0  }
0x90: {  	[sflag:s26] =	ssyncadd.s32 $0xFFFFFE70  }
0x91: {  	_ =	swait.ge [sflag:s30], $0x6400  }
0x92: {  	[sflag:s30] =	ssyncset.done $0x0  }
0x93: {  	[sflag:s30] =	ssyncadd.s32 $0xFFFF9C00  }
0x94: {  	[tilespmem:s14], [sflag:$0x4] =	stream.indirect.gather.add.f32 [hbm:s4], $0x40, s23, s22, $0xb8;
	[tilespmem:$0x19C80] =	vst v63  }
0x95: {  	s11 =	simm.s32 $0x15240;
	s20 =	simm.s32 $0x530  }
0x96: {  	[tilespmem:s11], [sflag:$0x4] =	stream.indirect.gather.add.f32 [hbm:s4], $0x40, s20, s22, $0xb8;
	[tilespmem:$0x19C80] =	vst v63  }
0x97: {  	s11 =	simm.s32 $0x5B0;
	s20 =	simm.s32 $0x17240  }
0x98: {  	[tilespmem:s20], [sflag:$0x4] =	stream.indirect.gather.add.f32 [hbm:s4], $0x40, s11, s22, $0xb8;
	[tilespmem:$0x19C80] =	vst v63  }
0x99: {  	s11 =	simm.s32 $0x630;
	s20 =	simm.s32 $0x19240  }
0x9a: {  	[tilespmem:s20], [sflag:$0x4] =	stream.indirect.gather.add.f32 [hbm:s4], $0x40, s11, s26, $0xb8;
	[tilespmem:$0x19C80] =	vst v63  }
0x9b: {  	_ =	swait.ge [sflag:s21], $0x2000  }
0x9c: {  	[sflag:s21] =	ssyncset.done $0x0  }
0x9d: {  	[sflag:s21] =	ssyncadd.s32 $0xFFFFE000  }
0x9e: {  	_ =	swait.ge [sflag:s21], $0x2000  }
0x9f: {  	[sflag:s21] =	ssyncset.done $0x0  }
0xa0: {  	[sflag:s21] =	ssyncadd.s32 $0xFFFFE000  }
0xa1: {  	_ =	swait.ge [sflag:s21], $0x2000  }
0xa2: {  	[sflag:s21] =	ssyncset.done $0x0  }
0xa3: {  	[sflag:s21] =	ssyncadd.s32 $0xFFFFE000  }
0xa4: {  	_ =	swait.ge [sflag:s21], $0x400  }
0xa5: {  	[sflag:s21] =	ssyncset.done $0x0  }
0xa6: {  	s11 =	sadd.s32 s0, s15;
	[sflag:s21] =	ssyncadd.s32 $0xFFFFFC00  }
0xa7: {  	[hbm4b:s11+s6] =	stream.strided.scatter [tilespmem:s24], [sflag:$0x7], $0x6400, s22, s6, $0x38;
	[tilespmem:$0x19C80] =	vst v63  }
0xa8: {  	s20 =	simm.s32 @!p1 $0x320  }
0xa9: {  	[tilespmem:s20], [sflag:$0xF] =	stream.linear.gather @!p1 [hbm4b:s29+s9], $0x190, $0x38;
	[tilespmem:$0x19C80] =	vst v63  }
0xaa: {  	s20 =	simm.s32 @!p1 $0x6  }
0xab: {  	_ =	swait.ge @!p1 [sflag:s20], $0x6400  }
0xac: {  	[sflag:s20] =	ssyncset.done @!p1 $0x0  }
0xad: {  	[sflag:s20] =	ssyncadd.s32 @!p1 $0xFFFF9C00;
	s20 =	simm.s32 @!p1 $0x6A40  }
0xae: {  	[tilespmem:s20], [sflag:$0xA] =	stream.linear.gather @!p1 [spmem:s2], $0x6400, $0x38;
	[tilespmem:$0x19C80] =	vst v63  }
0xaf: {  	s20 =	simm.s32 @!p1 $0xD  }
0xb0: {  	_ =	swait.ge @!p1 [sflag:s20], $0x190  }
0xb1: {  	[sflag:s20] =	ssyncset.done @!p1 $0x0  }
0xb2: {  	[sflag:s20] =	ssyncadd.s32 @!p1 $0xFFFFFE70;
	s20 =	simm.s32 @!p1 $0x9  }
0xb3: {  	_ =	swait.ge @!p1 [sflag:s20], $0x6400  }
0xb4: {  	[sflag:s20] =	ssyncset.done @!p1 $0x0  }
0xb5: {  	[sflag:s20] =	ssyncadd.s32 @!p1 $0xFFFF9C00;
	s20 =	simm.s32 @!p1 $0x80  }
0xb6: {  	[tilespmem:s10], [sflag:$0x1] =	stream.indirect.gather.add.f32 @!p1 [hbm:s4], $0x40, s9, s20, $0xb8;
	[tilespmem:$0x19C80] =	vst v63  }
0xb7: {  	s9 =	simm.s32 @!p1 $0x2640  }
0xb8: {  	[tilespmem:s9], [sflag:$0x1] =	stream.indirect.gather.add.f32 @!p1 [hbm:s4], $0x40, s20, s20, $0xb8;
	[tilespmem:$0x19C80] =	vst v63  }
0xb9: {  	s10 =	simm.s32 @!p1 $0x4640;
	s9 =	simm.s32 @!p1 $0x100  }
0xba: {  	[tilespmem:s10], [sflag:$0x1] =	stream.indirect.gather.add.f32 @!p1 [hbm:s4], $0x40, s9, s20, $0xb8;
	[tilespmem:$0x19C80] =	vst v63  }
0xbb: {  	s9 =	simm.s32 @!p1 $0x10;
	s10 =	simm.s32 @!p1 $0x180;
	s20 =	simm.s32 @!p1 $0x6640  }
0xbc: {  	[tilespmem:s20], [sflag:$0x1] =	stream.indirect.gather.add.f32 @!p1 [hbm:s4], $0x40, s10, s9, $0xb8;
	[tilespmem:$0x19C80] =	vst v63  }
0xbd: {  	_ =	swait.ge [sflag:s1], $0x2000  }
0xbe: {  	[sflag:s1] =	ssyncset.done $0x0  }
0xbf: {  	[sflag:s1] =	ssyncadd.s32 $0xFFFFE000  }
0xc0: {  	_ =	swait.ge [sflag:s1], $0x2000  }
0xc1: {  	[sflag:s1] =	ssyncset.done $0x0  }
0xc2: {  	[sflag:s1] =	ssyncadd.s32 $0xFFFFE000  }
0xc3: {  	s20 =	sadd.s32 s0, s17;
	s0 =	sadd.s32 $0x6400, s0;
	_ =	swait.ge [sflag:s1], $0x2000  }
0xc4: {  	p1 =	sne.s32 s0, $0x64000;
	[sflag:s1] =	ssyncset.done $0x0  }
.Ltmp0:
0xc5: {  	[sflag:s1] =	ssyncadd.s32 $0xFFFFE000;
	(pc) =	sbr.rel @p1 .LBB2_2-.Ltmp0, $4  }
0xc6: {  	_ =	swait.ge [sflag:s1], $0x400  }
0xc7: {  	s19 =	sadd.s32 $0xC8, s19;
	s8 =	sadd.s32 $0x640, s8;
	[sflag:s1] =	ssyncset.done $0x0  }
0xc8: {  	s7 =	sadd.s32 $0xC8, s7;
	s29 =	sadd.s32 $0xC8, s29;
	[sflag:s1] =	ssyncadd.s32 $0xFFFFFC00  }
0xc9: {  	[hbm4b:s20+s6] =	stream.strided.scatter [tilespmem:s14], [sflag:$0x8], $0x6400, s22, s6, $0x38;
	[tilespmem:$0x19C80] =	vst v63  }
0xca: {  	s0 =	simm.s32 $0x5  }
0xcb: {  	_ =	swait.ge [sflag:s0], $0x6400  }
0xcc: {  	[sflag:s0] =	ssyncset.done $0x0  }
0xcd: {  	s19 =	simm.s32 $0x6;
	[sflag:s0] =	ssyncadd.s32 $0xFFFF9C00  }
0xce: {  	_ =	swait.ge [sflag:s19], $0x6400  }
0xcf: {  	[sflag:s19] =	ssyncset.done $0x0  }
0xd0: {  	s20 =	simm.s32 $0x7;
	[sflag:s19] =	ssyncadd.s32 $0xFFFF9C00  }
0xd1: {  	_ =	swait.ge [sflag:s20], $0x6400  }
0xd2: {  	[sflag:s20] =	ssyncset.done $0x0  }
0xd3: {  	[sflag:s20] =	ssyncadd.s32 $0xFFFF9C00  }
0xd4: {  	_ =	swait.ge [sflag:s3], $0x6400  }
0xd5: {  	s7 =	rddreg [dreg:$0xf]  }
0xd6: {  	s29 =	rddreg [dreg:$0x9];
	s7 =	sadd.s32 $0x1, s7  }
0xd7: {  	p1 =	sne.s32 s7, s29  }
.Ltmp1:
0xd8: {  	_ = 	snop;
	(pc) =	sbr.rel @p1 .LBB2_1-.Ltmp1, $3  }
0xd9: {  	_ =	sdelay $0x1  }
0xda: {  	[sflag:s3] =	ssyncset.done $0x0  }
0xdb: {  	[sflag:s3] =	ssyncadd.s32 $0xFFFF9C00  }
0xdc: {  	_ =	sfence.sel $0x180000  }
0xdd: {  	[bflag:$0x0] =	sbarrier.arrive $0xFFFF  }
0xde: {  	_ =	strace $0x90000047  }
0xdf: {  	[bflag:$0x2] =	sbarrier.arrive $0xFFFF  }
0xe0: {  	s0 =	rddreg [dreg:$0x3]  }
0xe1: {  	s0 =	sadd.s32 @!p0 $0x100000, s0  }
0xe2: {  	[sflag:s0] =	ssyncadd.tile.s32 @!p0 $0x1;
	_ =	shalt  }
.Lfunc_end2:
_tile_overlayer_lowered:
.L_overlay_start_2:
0xe3: {  	(tag) =	ssettag $0x2  }
0xe4: {  	s0 =	rddreg [dreg:$0x0];
	s2 =	stileid.u32  }
0xe5: {  	s1 =	rddreg [dreg:$0x1];
	p0 =	sne.s32 s2, $0x0  }
0xe6: {  	s3 =	rddreg [dreg:$0x2];
	[bflag:$0x3] =	sbarrier.arrive $0xFFFF;
	s2 =	simm.s32 @!p0 $0x1C11  }
0xe7: {  	[timem:s3], [sflag:s2] =	dma.local @!p0 [hbm:s0], s1  }
0xe8: {  	s0 =	simm.s32 @!p0 $0x11  }
0xe9: {  	_ =	swait.ge @!p0 [sflag:s0], s1  }
0xea: {  	s1 =	ssub.s32 @!p0 $0x0, s1;
	[sflag:s0] =	ssyncset.done @!p0 $0x0  }
0xeb: {  	[sflag:s0] =	ssyncadd.s32 @!p0 s1  }
0xec: {  	[bflag:$0x3] =	sbarrier.arrive $0xFFFF  }
0xed: {  	_ =	shalt  }

// kernel: sparse-core-data-format-call.cloned.1.call-start
scs
called_computation_lowered:
.L_overlay_start_0:
0x0: {  	s2 =	sld [smem:$0x3FD9]  }
0x1: {  	s3 =	sld [smem:$0x3FFE];
	_ =	sdelay $0x1  }
0x2: {  	s1 =	srdreg.scid  }
0x3: {  	s0 =	sand.u32 $0x1, s1  }
0x4: {  	s18 =	sshll.u32 s0, $0xA;
	s2 =	sadd.s32 s3, s2  }
0x5: {  	s2 =	sadd.s32 s2, s18  }
0x6: {  	[smem:$0x3FC5] =	sst s2  }
0x7: {  	_ = 	snop  }
0x8: {  	s2 =	sld [smem:$0x3FD0];
	(tm) =	ssettm $0x1  }
0x9: {  	s19 =	sld [smem:$0x3FFB];
	_ =	sdelay $0x3  }
0xa: {  	_ =	strace s19  }
0xb: {  	s3 =	sld [smem:$0x3FFC];
	_ =	sdelay $0x3  }
0xc: {  	_ =	strace s3  }
0xd: {  	s3 =	sld [smem:$0x3FFD];
	_ =	sdelay $0x3  }
0xe: {  	_ =	strace s3  }
0xf: {  	_ =	strace $0x8FFFFFFF  }
0x10: {  	s20 =	sld [smem:$0x3FDB];
	_ =	sdelay $0x1  }
0x11: {  	s4 =	simm.s32 $_scs_section_size  }
0x12: {  	s5 =	simm.s32 $_size__tile_overlayer_lowered;
	s6 =	simm.s32 $_tile_overlayer_lowered  }
0x13: {  	s23 =	simm.s32 $0x1BFF;
	s22 =	sshll.u32 s6, $0x1;
	s3 =	sadd.s32 s4, s20  }
0x14: {  	s7 =	simm.s32 $0x0;
	s21 =	sshll.u32 s5, $0x1;
	s5 =	sadd.s32 s22, s3  }
0x15: {  	[timem:s7], [sflag:s23] =	dma.local [hbm:s5], s21  }
0x16: {  	_ =	swait.ge [sflag:s23], s21  }
0x17: {  	s4 =	ssub.s32 $0x0, s21;
	[sflag:s23] =	ssyncset.done $0x0  }
0x18: {  	[sflag:s23] =	ssyncadd.s32 s4;
	_ =	sdelay $0x1  }
0x19: {  	s24 =	simm.s32 $0x1B8B  }
0x1a: {  	_ =	swait.ge [sflag:s24], $0x1  }
0x1b: {  	[sflag:s24] =	ssyncset.done $0x0  }
0x1c: {  	s26 =	simm.s32 $0x1B8E;
	s25 =	sld [smem:$0x3FFE];
	[sflag:s24] =	ssyncadd.s32 $0xFFFFFFFF  }
0x1d: {  	s27 =	simm.s32 $execute0_lowered;
	[smem:$0x3FD2] =	sst s26  }
0x1e: {  	s5 =	sshll.u32 s27, $0x1;
	_ =	strace $0x80000049;
	[dreg:$0x1] =	wrdreg $0xFFFFFFFF  }
0x1f: {  	s28 =	simm.s32 $_size_execute0_lowered;
	s3 =	sadd.s32 s3, s5;
	[dreg:$0x0] =	wrdreg $0x0  }
0x20: {  	s5 =	sshll.u32 s28, $0x1;
	[dreg:$0x2] =	wrdreg s3  }
0x21: {  	[dreg:$0x3] =	wrdreg s5  }
0x22: {  	[dreg:$0x4] =	wrdreg $0xC0  }
0x23: {  	_ =	task [dreg:s7], $0x5FFFF  }
0x24: {  	[dreg:$0x1] =	wrdreg $0xFFFFFFFF  }
0x25: {  	[dreg:$0x0] =	wrdreg $0x60  }
0x26: {  	[dreg:$0x2] =	wrdreg s25  }
0x27: {  	[dreg:$0x3] =	wrdreg s2  }
0x28: {  	[dreg:$0x4] =	wrdreg $0x9  }
0x29: {  	_ =	task.clear_ibuf [dreg:s7], $0x5FFFF;
	_ =	strace $0x90000049  }
0x2a: {  	s29 =	simm.s32 $0x9;
	_ =	strace $0x8000004B  }
0x2b: {  	_ =	swait.ge [sflag:s29], $0x1  }
0x2c: {  	[sflag:s29] =	ssyncadd.s32 $0xFFFFFFFF  }
0x2d: {  	_ =	strace $0x9000004B  }
0x2e: {  	_ =	sfence  }
0x2f: {  	s30 =	sld [smem:$0x0];
	_ =	sdelay $0x2  }
0x30: {  	s31 =	sshll.u32 s1, $0xD;
	s1 =	sshrl.u32 s1, $0x2  }
0x31: {  	s3 =	sand.u32 $0x4000, s31;
	s1 =	sadd.s32 s1, s30  }
0x32: {  	s0 =	sor.u32 s3, s0;
	s1 =	sshll.u32 s1, $0x11  }
0x33: {  	s0 =	sor.u32 s1, s0  }
0x34: {  	s0 =	sadd.s32 $0x8F2B, s0  }
0x35: {  	[sflag:s0] =	ssyncadd.remote.s32 $0x1  }
0x36: {  	_ =	sfence.sel $0xFFFF  }
0x37: {  	[dreg:$0x0] =	wrdreg $0xFFFFFFFF;
	(pc) =	sbr.abs _section_cstart, $3  }
0x38: {  	[dreg:$0x1] =	wrdreg $0xFFFFFFFF  }
0x39: {  	_ =	task.clear_ibuf [dreg:s7], $0x2FFFF;
	_ =	strace $0x9FFFFFFF  }
0x3a: {  	(tm) =	ssettm $0x7FFFFFFF  }
0x3b: {  	_ =	shalt  }
tec
execute0_lowered:
.L_overlay_start_1:
0x0: {  	(tag) =	ssettag $0x1  }
0x1: {  	s0 =	srdreg.scid  }
0x2: {  	s1 =	sshll.u32 s0, $0x4  }
0x3: {  	s0 =	stileid.u32;
	s1 =	sand.u32 $0x10, s1  }
0x4: {  	s1 =	sor.u32 s0, s1  }
0x5: {  	s6 =	rddreg [dreg:$0x0];
	s4 =	simm.s32 $0x1;
	s2 =	sshll.u32 s1, $0x7  }
0x6: {  	s7 =	simm.s32 $0x2;
	s12 =	simm.s32 $0x0;
	s1 =	ssub.s32 $0x1000, s2  }
0x7: {  	s8 =	simm.s32 $0x8000;
	s13 =	simm.s32 $0x0;
	s3 =	sand.u32 $0xF80, s1  }
0x8: {  	s9 =	simm.s32 $0x0;
	s5 =	sshrl.u32 s1, $0xC;
	p0 =	sne.s32 s3, $0x0  }
.Ltmp0:
0x9: {  	s1 =	rddreg [dreg:$0x2];
	s4 =	simm.s32 @!p0 $0x0;
	(pc) =	sbr.rel .LBB1_1-.Ltmp0, $4  }
0xa: {  	s11 =	simm.s32 $0x0;
	s3 =	rddreg [dreg:$0x1];
	s5 =	sadd.s32 s4, s5  }
0xb: {  	_ =	strace $0x8000004A;
	s4 =	simm.s32 $0x1;
	s5 =	smul.u32 $0xC8, s5  }
0xc: {  	s6 =	sadd.s32 $0x1400, s6;
	s10 =	smov.u32 s2;
	[sflag:s4] =	ssyncpa.u1 $0x0  }
0xd: {  	p0 =	por $0x0, $0x0;
	[sflag:s7] =	ssyncpa.u1 $0x0;
	s7 =	sor.u32 $0x1, s5  }
.LBB1_4:
0xe: {  	s16 =	sshll.u32 s13, $0x3;
	s17 =	sand.u32 $0x78, s13  }
0xf: {  	s30 =	sand.u32 $0x7E00, s13;
	s12 =	sshll.u32 s12, $0xF;
	s16 =	sand.u32 $0xC00, s16  }
0x10: {  	[tilespmem:s15+$0x810 ss:$0x81] =	vst.msk $0xffff, v2;
	s31 =	sand.u32 $0x7, s13;
	s16 =	sor.u32 s17, s16;
	s17 =	sadd.s32 s3, s30  }
0x11: {  	[tilespmem:s15+$0x1020 ss:$0x81] =	vst.msk $0xffff, v0;
	s13 =	sshll.u32 s31, $0x12;
	s12 =	sadd.s32 s12, s17;
	s16 =	sshrl.u32 s16, $0x3  }
0x12: {  	[tilespmem:s15+$0x0 ss:$0x81] =	vst.msk $0xffff, v1;
	s13 =	sor.u32 $0x400, s13;
	s12 =	sadd.s32 s16, s12  }
0x13: {  	[hbm4b:s12+s13] =	stream.strided.scatter [tilespmem:s14], [sflag:$0x2], $0x2000, s8, s13, $0x20;
	[tilespmem:$0x8080] =	vst v63  }
.LBB1_5:
0x14: {  	s14 =	sadd.s32 $0x1, s9  }
0x15: {  	s12 =	sadd.s32 $0x1000, s10;
	s16 =	smov.u32 s10;
	p2 =	sgt.s32 s14, $0xC7  }
0x16: {  	s16 =	smov.u32 @p2 s12  }
0x17: {  	s14 =	simm.s32 @p2 $0x0;
	p2 =	sgt.s32 s16, $0xFFF  }
0x18: {  	s16 =	smov.u32 @p2 s2;
	p2 =	sne.s32 s11, s7  }
.Ltmp1:
0x19: {  	p1 =	slt.u32 s11, $0x2;
	(pc) =	sbr.rel @!p2 .LBB1_6-.Ltmp1, $4  }
0x1a: {  	s15 =	simm.s32 @!p1 $0x2  }
0x1b: {  	s13 =	smov.u32 s10;
	p0 =	por !p0, !p0;
	_ =	swait.ge @!p1 [sflag:s15], $0x2000  }
0x1c: {  	s12 =	smov.u32 s9;
	[sflag:s15] =	ssyncset.done @!p1 $0x0;
	s9 =	smov.u32 s14  }
0x1d: {  	s11 =	sadd.s32 $0x1, s11;
	[sflag:s15] =	ssyncadd.s32 @!p1 $0xFFFFE000;
	s10 =	smov.u32 s16  }
.LBB1_1:
0x1e: {  	p1 =	sge.u32 s11, s5  }
0x1f: {  	s14 =	sand.u32 @!p1 $0x1FFFFFF, s9  }
0x20: {  	s15 =	smulhi.u32 @!p1 $0x147AE15, s14;
	_ =	sdelay $0x1  }
0x21: {  	s15 =	smul.u32 @!p1 $0xC8, s15  }
0x22: {  	s16 =	sxor.u32 @!p1 $0xFFFFFFFF, s11;
	s17 =	smul.u32 @!p1 $0xC80, s10  }
0x23: {  	s31 =	sadd.s32 $0xFFFFFFFF, s11;
	s16 =	sshll.u32 @!p1 s16, $0xD;
	s14 =	ssub.s32 @!p1 s14, s15  }
0x24: {  	s15 =	sand.u32 @!p1 $0x2000, s16;
	s16 =	sadd.s32 @!p1 s6, s17;
	s14 =	sshll.u32 @!p1 s14, $0x4  }
0x25: {  	s17 =	simm.s32 @!p1 $0x6400;
	s14 =	sadd.s32 @!p1 s14, s16;
	s16 =	simm.s32 @!p1 $0x40  }
0x26: {  	[tilespmem:s15], [sflag:$0x1] =	stream.strided.gather @!p1 [hbm4b:s14+s16], $0x2000, s17, s16, $0x38;
	[tilespmem:$0x8080] =	vst v63  }
0x27: {  	p1 =	sge.u32 s31, s5  }
.Ltmp2:
0x28: {  	_ = 	snop;
	(pc) =	sbr.rel @p1 .LBB1_5-.Ltmp2, $1  }
0x29: {  	_ =	sdelay $0x3  }
0x2a: {  	s14 =	simm.s32 $0x1  }
0x2b: {  	_ =	swait.ge [sflag:s4], $0x2000;
	s14 =	simm.s32 @!p0 $0x0  }
0x2c: {  	[sflag:s4] =	ssyncset.done $0x0;
	s15 =	sshll.u32 s14, $0xD  }
0x2d: {  	[sflag:s4] =	ssyncadd.s32 $0xFFFFE000;
	s18 =	sor.u32 $0x20, s15  }
0x2e: {  	s14 =	smul.u32 $0x8100, s14;
	v3 =	vld [tilespmem:s18+$0x10]  }
0x2f: {  	s30 =	sand.u32 $0x1, s11;
	v2 =	vld [tilespmem:s18+$0xFFFFFFF0]  }
0x30: {  	s15 =	smul.u32 $0x8100, s30;
	s14 =	sshrl.u32 s14, $0x2;
	v0 =	vld [tilespmem:s18+$0x0]  }
0x31: {  	v1 =	vld [tilespmem:s18+$0xFFFFFFE0];
	s16 =	sor.u32 $0x4000, s14  }
0x32: {  	s31 =	sshrl.u32 s15, $0x2;
	s15 =	sadd.s32 $0x0, s16  }
0x33: {  	s17 =	simm.s32 $0x4;
	s18 =	sadd.s32 $0x40, s18;
	s14 =	sor.u32 $0x4000, s31;
	[tilespmem:s15+$0x1830 ss:$0x81] =	vst.msk $0xffff, v3  }
.LBB1_3:
0x34: {  	v3 =	vld [tilespmem:s18+$0x10];
	p1 =	sne.s32 s17, $0x1FC;
	[tilespmem:s15+$0x810 ss:$0x81] =	vst.msk $0xffff, v2;
	s19 =	smov.u32 s17;
	s17 =	sadd.s32 $0x4, s17  }
.Ltmp3:
0x35: {  	v2 =	vld [tilespmem:s18+$0xFFFFFFF0];
	[tilespmem:s15+$0x1020 ss:$0x81] =	vst.msk $0xffff, v0;
	(pc) =	sbr.rel @p1 .LBB1_3-.Ltmp3, $4  }
0x36: {  	v0 =	vld [tilespmem:s18+$0x0];
	[tilespmem:s15+$0x0 ss:$0x81] =	vst.msk $0xffff, v1  }
0x37: {  	s15 =	sshra.s32 s19, $0x2;
	v1 =	vld [tilespmem:s18+$0xFFFFFFE0]  }
0x38: {  	s15 =	sadd.s32 s15, s16  }
0x39: {  	s18 =	sadd.s32 $0x40, s18;
	[tilespmem:s15+$0x1830 ss:$0x81] =	vst.msk $0xffff, v3  }
.Ltmp4:
0x3a: {  	_ = 	snop;
	(pc) =	sbr.rel .LBB1_4-.Ltmp4, $1  }
0x3b: {  	_ =	sdelay $0x3  }
.LBB1_6:
0x3c: {  	_ =	sfence.sel $0x180000  }
0x3d: {  	s2 =	simm.s32 $0x1;
	[bflag:$0x0] =	sbarrier.arrive $0xFFFF  }
0x3e: {  	s31 =	simm.s32 $0x2;
	[sflag:s2] =	ssyncpa.u1 $0x1  }
0x3f: {  	[sflag:s31] =	ssyncpa.u1 $0x1  }
0x40: {  	p0 =	sne.s32 s0, $0x0;
	_ =	strace $0x9000004A  }
0x41: {  	s0 =	sadd.s32 @!p0 $0x100000, s1;
	[bflag:$0x2] =	sbarrier.arrive $0xFFFF  }
0x42: {  	[sflag:s0] =	ssyncadd.tile.s32 @!p0 $0x1;
	_ =	shalt  }
.Lfunc_end1:
_tile_overlayer_lowered:
.L_overlay_start_2:
0x43: {  	(tag) =	ssettag $0x2  }
0x44: {  	s0 =	rddreg [dreg:$0x0];
	s2 =	stileid.u32  }
0x45: {  	s1 =	rddreg [dreg:$0x1];
	p0 =	sne.s32 s2, $0x0  }
0x46: {  	s3 =	rddreg [dreg:$0x2];
	[bflag:$0x3] =	sbarrier.arrive $0xFFFF;
	s2 =	simm.s32 @!p0 $0x1C01  }
0x47: {  	[timem:s3], [sflag:s2] =	dma.local @!p0 [hbm:s0], s1  }
0x48: {  	s0 =	simm.s32 @!p0 $0x1  }
0x49: {  	_ =	swait.ge @!p0 [sflag:s0], s1  }
0x4a: {  	s1 =	ssub.s32 @!p0 $0x0, s1;
	[sflag:s0] =	ssyncset.done @!p0 $0x0  }
0x4b: {  	[sflag:s0] =	ssyncadd.s32 @!p0 s1  }
0x4c: {  	[bflag:$0x3] =	sbarrier.arrive $0xFFFF  }
0x4d: {  	_ =	shalt  }

</sc_bundles>
